<compile_context>
chip_gen: v7x
topology: tpu7x:2x2x1
jax: 0.10.2.dev20260603
libtpu: 0.0.44.dev20260713+nightly
codegen_flags: <defaults>
</compile_context>

<pallas_src>
import functools

import jax
import jax.numpy as jnp
from jax import lax
from jax.experimental import pallas as pl
from jax.experimental.pallas import tpu as pltpu
from jax.experimental.pallas import tpu_sc as plsc

N = 100000
E = 6400000
G = E // 128
NC = 2
NS = 16
NW = NC * NS
NG = 10
NCHUNK = G // NG
L = 16

INV2PI = 0.15915494309189535
MAGIC = 12582912.0
C = (0.9985667768466346, -19.552735135991306, 61.107297158754,
     -59.580280760342646)


def _cos_poly(x):
    u = x * INV2PI
    t = (u + MAGIC) - MAGIC
    w = u - t
    v = w * w
    p = jnp.float32(C[3])
    for k in (2, 1, 0):
        p = p * v + jnp.float32(C[k])
    return p


@functools.partial(
    pl.kernel,
    out_type=jax.ShapeDtypeStruct((G, 8, 128), jnp.float32),
    mesh=plsc.VectorSubcoreMesh(core_axis_name="c", subcore_axis_name="s"),
    compiler_params=pltpu.CompilerParams(
        needs_layout_passes=False, use_tc_tiling_on_sc=False),
    scratch_types=[
        pltpu.VMEM((N,), jnp.float32),
        pltpu.VMEM((NG, 2, 128), jnp.int32),
        pltpu.VMEM((NG, 2, 128), jnp.int32),
        pltpu.VMEM((NG, 4, 128), jnp.float32),
        pltpu.VMEM((NG, 4, 128), jnp.float32),
        pltpu.VMEM((NG, 6, 128), jnp.float32),
        pltpu.VMEM((NG, 6, 128), jnp.float32),
        pltpu.SemaphoreType.DMA,
        pltpu.SemaphoreType.DMA,
        pltpu.SemaphoreType.DMA,
        pltpu.SemaphoreType.DMA,
    ],
)
def _sc_kernel(r_hbm, h_hbm, ei_hbm, out_hbm, r_v,
               ix0, ix1, hx0, hx1, ox0, ox1, si0, si1, so0, so1):
    wid = lax.axis_index("s") * NC + lax.axis_index("c")

    ixs, hxs, oxs = (ix0, ix1), (hx0, hx1), (ox0, ox1)
    sis, sos = (si0, si1), (so0, so1)

    niter = ((NCHUNK + NW - 1) // NW + 1) // 2 * 2

    def fire_in(k, p):
        c = k * NW + wid

        @pl.when(c < NCHUNK)
        def _():
            g0 = c * NG
            pltpu.async_copy(ei_hbm.at[pl.ds(g0, NG)], ixs[p], sis[p])
            pltpu.async_copy(h_hbm.at[pl.ds(g0, NG)], hxs[p], sis[p])

    def compute(h_v, idx_v, o_v):
        @plsc.parallel_loop(0, NG * 8, unroll=8)
        def _(j):
            q = j >> 3
            s = pl.ds(L * (j & 7), L)
            o_v[q, 0, s] = h_v[q, 0, s]
            o_v[q, 1, s] = _cos_poly(h_v[q, 1, s])
            o_v[q, 2, s] = _cos_poly(h_v[q, 2, s])
            o_v[q, 3, s] = _cos_poly(h_v[q, 3, s])
            o_v[q, 4, s] = plsc.load_gather(r_v, [idx_v[q, 0, s]])
            o_v[q, 5, s] = plsc.load_gather(r_v, [idx_v[q, 1, s]])

    d_r = pltpu.async_copy(r_hbm, r_v, sos[0])
    fire_in(0, 0)
    d_r.wait()

    def pair_body(i, _):
        for p in (0, 1):
            k = 2 * i + p
            c = k * NW + wid
            fire_in(k + 1, 1 - p)

            @pl.when(c < NCHUNK)
            def _(p=p, k=k, c=c):
                g0 = c * NG
                pltpu.make_async_copy(
                    ei_hbm.at[pl.ds(g0, NG)], ixs[p], sis[p]).wait()
                pltpu.make_async_copy(
                    h_hbm.at[pl.ds(g0, NG)], hxs[p], sis[p]).wait()

                @pl.when(k >= 2)
                def _():
                    gp = (c - 2 * NW) * NG
                    pltpu.make_async_copy(
                        oxs[p], out_hbm.at[pl.ds(gp, NG), pl.ds(0, 6)],
                        sos[p]).wait()

                compute(hxs[p], ixs[p], oxs[p])
                pltpu.async_copy(
                    oxs[p], out_hbm.at[pl.ds(g0, NG), pl.ds(0, 6)], sos[p])

        return 0

    lax.fori_loop(0, niter // 2, pair_body, 0)

    kw = (NCHUNK - 1 - wid) // NW
    for p in (0, 1):
        kp = kw - ((kw ^ p) & 1)

        @pl.when(kp >= 0)
        def _(p=p, kp=kp):
            c = kp * NW + wid
            pltpu.make_async_copy(
                oxs[p], out_hbm.at[pl.ds(c * NG, NG), pl.ds(0, 6)],
                sos[p]).wait()


def kernel(r, h, edge_index):
    ei3 = edge_index.astype(jnp.int32).reshape(2, G, 128).transpose(1, 0, 2)
    h3 = h.reshape(G, 128, 4).transpose(0, 2, 1)
    out4 = _sc_kernel(r, h3, ei3)
    return out4.transpose(0, 2, 1).reshape(E, 8)[:, :6]

# --- scband reference (transcript-rebuilt; emitter-appended) ---
"""Pipeline reference for scband-emb-hull-79044578116058 (READ-ONLY COPY).

The authoritative reference and input builder live on the scoring server;
editing this copy changes nothing except your own understanding.
"""

import jax, jax.numpy as jnp
import numpy as np


def setup_inputs(seed: int = 0) -> dict:
    key = jax.random.key(seed)
    k1, k2, k3 = jax.random.split(key, 3)
    N = 100000
    E = 6400000
    r = jax.random.normal(k1, (N,), dtype=jnp.float32)
    h = jax.random.normal(k2, (E, 4), dtype=jnp.float32)
    edge_index = jax.random.randint(k3, (2, E), 0, N, dtype=jnp.int64)
    return {"r": r, "h": h, "edge_index": edge_index}


def reference(r, h, edge_index):
    row = edge_index[0]
    col = edge_index[1]
    fea2 = jnp.concatenate([r[row][:, None], r[col][:, None]], axis=1)
    # hull_cos=True: h[:, 1:] = cos(h[:, 1:]) (functional version of in-place update)
    fea1 = jnp.concatenate([h[:, :1], jnp.cos(h[:, 1:])], axis=1)
    return jnp.concatenate([fea1, fea2], axis=1)

if __name__ == "__main__":
    import jax
    _d = setup_inputs()
    print(jax.jit(kernel)(*tuple(_d.values())))

</pallas_src>

<mosaic_0001>
#map = affine_map<(d0, d1) -> (0)>
#map1 = affine_map<(d0, d1) -> (0, 0, 0)>
module attributes {stable_mosaic.version = 14 : i64} {
  func.func @_sc_kernel(%arg0: i32, %arg1: i32, %arg2: memref<100000xf32, #tpu.memory_space<hbm>>, %arg3: memref<50000x4x128xf32, #tpu.memory_space<hbm>>, %arg4: memref<50000x2x128xi32, #tpu.memory_space<hbm>>, %arg5: memref<50000x8x128xf32, #tpu.memory_space<hbm>>, %arg6: memref<100000xf32, #tpu.memory_space<vmem>>, %arg7: memref<10x2x128xi32, #tpu.memory_space<vmem>>, %arg8: memref<10x2x128xi32, #tpu.memory_space<vmem>>, %arg9: memref<10x4x128xf32, #tpu.memory_space<vmem>>, %arg10: memref<10x4x128xf32, #tpu.memory_space<vmem>>, %arg11: memref<10x6x128xf32, #tpu.memory_space<vmem>>, %arg12: memref<10x6x128xf32, #tpu.memory_space<vmem>>, %arg13: memref<!tpu.dma_semaphore, #tpu.memory_space<semaphore_mem>>, %arg14: memref<!tpu.dma_semaphore, #tpu.memory_space<semaphore_mem>>, %arg15: memref<!tpu.dma_semaphore, #tpu.memory_space<semaphore_mem>>, %arg16: memref<!tpu.dma_semaphore, #tpu.memory_space<semaphore_mem>>) attributes {dimension_semantics = [#tpu.dimension_semantics<core_parallel>, #tpu.dimension_semantics<subcore_parallel>], iteration_bounds = array<i64: 2, 16>, scalar_prefetch = 0 : i64, scratch_operands = 11 : i64, tpu.core_type = #tpu.core_type<sc_vector_subcore>, window_params = [{transform_indices = #map}, {transform_indices = #map1}, {transform_indices = #map1}, {transform_indices = #map1}]} {
    %mul3A = arith.constant 2 : i32
    %mul3A_0 = arith.muli %arg1, %mul3A : i32
    %add3A = arith.addi %mul3A_0, %arg0 : i32
    tpu.enqueue_dma source(%arg2 : memref<100000xf32, #tpu.memory_space<hbm>>) target(%arg6 : memref<100000xf32, #tpu.memory_space<vmem>>) target_semaphore(%arg15 : memref<!tpu.dma_semaphore, #tpu.memory_space<semaphore_mem>>)
    %add3A_1 = arith.constant 0 : i32
    %add3A_2 = arith.addi %add3A_1, %add3A : i32
    %lt3A = arith.constant 5000 : i32
    %lt3A_3 = arith.cmpi slt, %add3A_2, %lt3A : i32
    %convert_element_type3A = arith.extui %lt3A_3 : i1 to i32
    %cond3A = arith.constant 0 : i32
    %cond3A_4 = arith.cmpi ne, %convert_element_type3A, %cond3A : i32
    scf.if %cond3A_4 {
      %mul3A_47 = arith.constant 10 : i32
      %mul3A_48 = arith.muli %add3A_2, %mul3A_47 : i32
      %dma_start3A = arith.constant 0 : i32
      %dma_start3A_49 = arith.constant 0 : i32
      %dma_start3A_50 = tpu.memref_slice %arg4[%mul3A_48, %dma_start3A, %dma_start3A_49] : memref<50000x2x128xi32, #tpu.memory_space<hbm>> -> memref<10x2x128xi32, #tpu.memory_space<hbm>>
      %dma_start3A_51 = arith.constant 0 : i32
      %dma_start3A_52 = arith.constant 0 : i32
      %dma_start3A_53 = tpu.memref_slice %arg4[%mul3A_48, %dma_start3A_51, %dma_start3A_52] : memref<50000x2x128xi32, #tpu.memory_space<hbm>> -> memref<10x2x128xi32, #tpu.memory_space<hbm>>
      tpu.enqueue_dma source(%dma_start3A_53 : memref<10x2x128xi32, #tpu.memory_space<hbm>>) target(%arg7 : memref<10x2x128xi32, #tpu.memory_space<vmem>>) target_semaphore(%arg13 : memref<!tpu.dma_semaphore, #tpu.memory_space<semaphore_mem>>)
      %dma_start3A_54 = arith.constant 0 : i32
      %dma_start3A_55 = arith.constant 0 : i32
      %dma_start3A_56 = tpu.memref_slice %arg3[%mul3A_48, %dma_start3A_54, %dma_start3A_55] : memref<50000x4x128xf32, #tpu.memory_space<hbm>> -> memref<10x4x128xf32, #tpu.memory_space<hbm>>
      %dma_start3A_57 = arith.constant 0 : i32
      %dma_start3A_58 = arith.constant 0 : i32
      %dma_start3A_59 = tpu.memref_slice %arg3[%mul3A_48, %dma_start3A_57, %dma_start3A_58] : memref<50000x4x128xf32, #tpu.memory_space<hbm>> -> memref<10x4x128xf32, #tpu.memory_space<hbm>>
      tpu.enqueue_dma source(%dma_start3A_59 : memref<10x4x128xf32, #tpu.memory_space<hbm>>) target(%arg9 : memref<10x4x128xf32, #tpu.memory_space<vmem>>) target_semaphore(%arg13 : memref<!tpu.dma_semaphore, #tpu.memory_space<semaphore_mem>>)
    } else {
    }
    tpu.wait_dma2 semaphore(%arg15 : memref<!tpu.dma_semaphore, #tpu.memory_space<semaphore_mem>>) src(%arg2 : memref<100000xf32, #tpu.memory_space<hbm>>) dst(%arg6 : memref<100000xf32, #tpu.memory_space<vmem>>)
    %scan3A = arith.constant 0 : i32
    %scan3A_5 = arith.constant 0 : i32
    %scan3A_6 = arith.constant 79 : i32
    %scan3A_7 = arith.addi %scan3A_5, %scan3A_6 : i32
    %scan3A_8 = arith.constant 1 : i32
    %scan3A_9 = scf.for %scan3A_47 = %scan3A_5 to %scan3A_7 step %scan3A_8 iter_args(%scan3A_48 = %scan3A) -> (i32)  : i32 {
      %mul3A_49 = arith.constant 2 : i32
      %mul3A_50 = arith.muli %mul3A_49, %scan3A_47 : i32
      %add3A_51 = arith.constant 0 : i32
      %add3A_52 = arith.addi %mul3A_50, %add3A_51 : i32
      %mul3A_53 = arith.constant 32 : i32
      %mul3A_54 = arith.muli %add3A_52, %mul3A_53 : i32
      %add3A_55 = arith.addi %mul3A_54, %add3A : i32
      %add3A_56 = arith.constant 1 : i32
      %add3A_57 = arith.addi %add3A_52, %add3A_56 : i32
      %mul3A_58 = arith.constant 32 : i32
      %mul3A_59 = arith.muli %add3A_57, %mul3A_58 : i32
      %add3A_60 = arith.addi %mul3A_59, %add3A : i32
      %lt3A_61 = arith.constant 5000 : i32
      %lt3A_62 = arith.cmpi slt, %add3A_60, %lt3A_61 : i32
      %convert_element_type3A_63 = arith.extui %lt3A_62 : i1 to i32
      %cond3A_64 = arith.constant 0 : i32
      %cond3A_65 = arith.cmpi ne, %convert_element_type3A_63, %cond3A_64 : i32
      scf.if %cond3A_65 {
        %mul3A_94 = arith.constant 10 : i32
        %mul3A_95 = arith.muli %add3A_60, %mul3A_94 : i32
        %dma_start3A = arith.constant 0 : i32
        %dma_start3A_96 = arith.constant 0 : i32
        %dma_start3A_97 = tpu.memref_slice %arg4[%mul3A_95, %dma_start3A, %dma_start3A_96] : memref<50000x2x128xi32, #tpu.memory_space<hbm>> -> memref<10x2x128xi32, #tpu.memory_space<hbm>>
        %dma_start3A_98 = arith.constant 0 : i32
        %dma_start3A_99 = arith.constant 0 : i32
        %dma_start3A_100 = tpu.memref_slice %arg4[%mul3A_95, %dma_start3A_98, %dma_start3A_99] : memref<50000x2x128xi32, #tpu.memory_space<hbm>> -> memref<10x2x128xi32, #tpu.memory_space<hbm>>
        tpu.enqueue_dma source(%dma_start3A_100 : memref<10x2x128xi32, #tpu.memory_space<hbm>>) target(%arg8 : memref<10x2x128xi32, #tpu.memory_space<vmem>>) target_semaphore(%arg14 : memref<!tpu.dma_semaphore, #tpu.memory_space<semaphore_mem>>)
        %dma_start3A_101 = arith.constant 0 : i32
        %dma_start3A_102 = arith.constant 0 : i32
        %dma_start3A_103 = tpu.memref_slice %arg3[%mul3A_95, %dma_start3A_101, %dma_start3A_102] : memref<50000x4x128xf32, #tpu.memory_space<hbm>> -> memref<10x4x128xf32, #tpu.memory_space<hbm>>
        %dma_start3A_104 = arith.constant 0 : i32
        %dma_start3A_105 = arith.constant 0 : i32
        %dma_start3A_106 = tpu.memref_slice %arg3[%mul3A_95, %dma_start3A_104, %dma_start3A_105] : memref<50000x4x128xf32, #tpu.memory_space<hbm>> -> memref<10x4x128xf32, #tpu.memory_space<hbm>>
        tpu.enqueue_dma source(%dma_start3A_106 : memref<10x4x128xf32, #tpu.memory_space<hbm>>) target(%arg10 : memref<10x4x128xf32, #tpu.memory_space<vmem>>) target_semaphore(%arg14 : memref<!tpu.dma_semaphore, #tpu.memory_space<semaphore_mem>>)
      } else {
      }
      %lt3A_66 = arith.constant 5000 : i32
      %lt3A_67 = arith.cmpi slt, %add3A_55, %lt3A_66 : i32
      %convert_element_type3A_68 = arith.extui %lt3A_67 : i1 to i32
      %cond3A_69 = arith.constant 0 : i32
      %cond3A_70 = arith.cmpi ne, %convert_element_type3A_68, %cond3A_69 : i32
      scf.if %cond3A_70 {
        %mul3A_94 = arith.constant 10 : i32
        %mul3A_95 = arith.muli %add3A_55, %mul3A_94 : i32
        %dma_wait3A = arith.constant 0 : i32
        %dma_wait3A_96 = arith.constant 0 : i32
        %dma_wait3A_97 = tpu.memref_slice %arg4[%mul3A_95, %dma_wait3A, %dma_wait3A_96] : memref<50000x2x128xi32, #tpu.memory_space<hbm>> -> memref<10x2x128xi32, #tpu.memory_space<hbm>>
        %dma_wait3A_98 = arith.constant 0 : i32
        %dma_wait3A_99 = arith.constant 0 : i32
        %dma_wait3A_100 = tpu.memref_slice %arg4[%mul3A_95, %dma_wait3A_98, %dma_wait3A_99] : memref<50000x2x128xi32, #tpu.memory_space<hbm>> -> memref<10x2x128xi32, #tpu.memory_space<hbm>>
        tpu.wait_dma2 semaphore(%arg13 : memref<!tpu.dma_semaphore, #tpu.memory_space<semaphore_mem>>) src(%dma_wait3A_100 : memref<10x2x128xi32, #tpu.memory_space<hbm>>) dst(%arg7 : memref<10x2x128xi32, #tpu.memory_space<vmem>>)
        %dma_wait3A_101 = arith.constant 0 : i32
        %dma_wait3A_102 = arith.constant 0 : i32
        %dma_wait3A_103 = tpu.memref_slice %arg3[%mul3A_95, %dma_wait3A_101, %dma_wait3A_102] : memref<50000x4x128xf32, #tpu.memory_space<hbm>> -> memref<10x4x128xf32, #tpu.memory_space<hbm>>
        %dma_wait3A_104 = arith.constant 0 : i32
        %dma_wait3A_105 = arith.constant 0 : i32
        %dma_wait3A_106 = tpu.memref_slice %arg3[%mul3A_95, %dma_wait3A_104, %dma_wait3A_105] : memref<50000x4x128xf32, #tpu.memory_space<hbm>> -> memref<10x4x128xf32, #tpu.memory_space<hbm>>
        tpu.wait_dma2 semaphore(%arg13 : memref<!tpu.dma_semaphore, #tpu.memory_space<semaphore_mem>>) src(%dma_wait3A_106 : memref<10x4x128xf32, #tpu.memory_space<hbm>>) dst(%arg9 : memref<10x4x128xf32, #tpu.memory_space<vmem>>)
        %ge3A_107 = arith.constant 2 : i32
        %ge3A_108 = arith.cmpi sge, %add3A_52, %ge3A_107 : i32
        %convert_element_type3A_109 = arith.extui %ge3A_108 : i1 to i32
        %cond3A_110 = arith.constant 0 : i32
        %cond3A_111 = arith.cmpi ne, %convert_element_type3A_109, %cond3A_110 : i32
        scf.if %cond3A_111 {
          %sub3A_119 = arith.constant 64 : i32
          %sub3A_120 = arith.subi %add3A_55, %sub3A_119 : i32
          %mul3A_121 = arith.constant 10 : i32
          %mul3A_122 = arith.muli %sub3A_120, %mul3A_121 : i32
          %dma_wait3A_123 = arith.constant 0 : i32
          %dma_wait3A_124 = arith.constant 0 : i32
          %dma_wait3A_125 = tpu.memref_slice %arg5[%mul3A_122, %dma_wait3A_123, %dma_wait3A_124] : memref<50000x8x128xf32, #tpu.memory_space<hbm>> -> memref<10x6x128xf32, #tpu.memory_space<hbm>>
          %dma_wait3A_126 = arith.constant 0 : i32
          %dma_wait3A_127 = arith.constant 0 : i32
          %dma_wait3A_128 = tpu.memref_slice %arg5[%mul3A_122, %dma_wait3A_126, %dma_wait3A_127] : memref<50000x8x128xf32, #tpu.memory_space<hbm>> -> memref<10x6x128xf32, #tpu.memory_space<hbm>>
          tpu.wait_dma2 semaphore(%arg15 : memref<!tpu.dma_semaphore, #tpu.memory_space<semaphore_mem>>) src(%arg11 : memref<10x6x128xf32, #tpu.memory_space<vmem>>) dst(%dma_wait3A_128 : memref<10x6x128xf32, #tpu.memory_space<hbm>>)
        } else {
        }
        %parallel_loop3A = arith.constant 0 : i32
        %parallel_loop3A_112 = arith.constant 80 : i32
        %parallel_loop3A_113 = arith.constant 1 : i32
        scf.for %parallel_loop3A_119 = %parallel_loop3A to %parallel_loop3A_112 step %parallel_loop3A_113  : i32 {
          %parallel_loop3A_120 = arith.constant 3 : i32
          %parallel_loop3A_121 = arith.shrsi %parallel_loop3A_119, %parallel_loop3A_120 : i32
          %parallel_loop3A_122 = arith.constant 7 : i32
          %parallel_loop3A_123 = arith.andi %parallel_loop3A_119, %parallel_loop3A_122 : i32
          %parallel_loop3A_124 = arith.constant 16 : i32
          %parallel_loop3A_125 = arith.muli %parallel_loop3A_124, %parallel_loop3A_123 : i32
          %parallel_loop3A_126 = arith.constant 0 : i32
          %parallel_loop3A_127 = arith.index_cast %parallel_loop3A_121 : i32 to index
          %parallel_loop3A_128 = arith.index_cast %parallel_loop3A_126 : i32 to index
          %parallel_loop3A_129 = arith.index_cast %parallel_loop3A_125 : i32 to index
          %parallel_loop3A_130 = tpu.vector_load %arg9[%parallel_loop3A_127, %parallel_loop3A_128, %parallel_loop3A_129] {strides = array<i32>} : memref<10x4x128xf32, #tpu.memory_space<vmem>>, vector<16xf32>,
          %parallel_loop3A_131 = arith.constant 0 : i32
          %parallel_loop3A_132 = arith.index_cast %parallel_loop3A_121 : i32 to index
          %parallel_loop3A_133 = arith.index_cast %parallel_loop3A_131 : i32 to index
          %parallel_loop3A_134 = arith.index_cast %parallel_loop3A_125 : i32 to index
          %parallel_loop3A_135 = tpu.vector_load %arg11[%parallel_loop3A_132, %parallel_loop3A_133, %parallel_loop3A_134] {strides = array<i32>} : memref<10x6x128xf32, #tpu.memory_space<vmem>>, vector<16xf32>,
          tpu.vector_store %arg11[%parallel_loop3A_132, %parallel_loop3A_133, %parallel_loop3A_134], %parallel_loop3A_130 {strides = array<i32>} : memref<10x6x128xf32, #tpu.memory_space<vmem>>, vector<16xf32>,
          %parallel_loop3A_136 = arith.constant 1 : i32
          %parallel_loop3A_137 = arith.index_cast %parallel_loop3A_121 : i32 to index
          %parallel_loop3A_138 = arith.index_cast %parallel_loop3A_136 : i32 to index
          %parallel_loop3A_139 = arith.index_cast %parallel_loop3A_125 : i32 to index
          %parallel_loop3A_140 = tpu.vector_load %arg9[%parallel_loop3A_137, %parallel_loop3A_138, %parallel_loop3A_139] {strides = array<i32>} : memref<10x4x128xf32, #tpu.memory_space<vmem>>, vector<16xf32>,
          %parallel_loop3A_141 = arith.constant 0.159154937 : f32
          %parallel_loop3A_142 = vector.broadcast %parallel_loop3A_141 : f32 to vector<16xf32>
          %parallel_loop3A_143 = arith.mulf %parallel_loop3A_140, %parallel_loop3A_142 : vector<16xf32>
          %parallel_loop3A_144 = arith.constant 0x4B400000 : f32
          %parallel_loop3A_145 = vector.broadcast %parallel_loop3A_144 : f32 to vector<16xf32>
          %parallel_loop3A_146 = arith.addf %parallel_loop3A_143, %parallel_loop3A_145 : vector<16xf32>
          %parallel_loop3A_147 = arith.constant 0x4B400000 : f32
          %parallel_loop3A_148 = vector.broadcast %parallel_loop3A_147 : f32 to vector<16xf32>
          %parallel_loop3A_149 = arith.subf %parallel_loop3A_146, %parallel_loop3A_148 : vector<16xf32>
          %parallel_loop3A_150 = arith.subf %parallel_loop3A_143, %parallel_loop3A_149 : vector<16xf32>
          %parallel_loop3A_151 = arith.mulf %parallel_loop3A_150, %parallel_loop3A_150 : vector<16xf32>
          %parallel_loop3A_152 = arith.constant -59.5802803 : f32
          %parallel_loop3A_153 = vector.broadcast %parallel_loop3A_152 : f32 to vector<16xf32>
          %parallel_loop3A_154 = arith.mulf %parallel_loop3A_153, %parallel_loop3A_151 : vector<16xf32>
          %parallel_loop3A_155 = arith.constant 61.107296 : f32
          %parallel_loop3A_156 = vector.broadcast %parallel_loop3A_155 : f32 to vector<16xf32>
          %parallel_loop3A_157 = arith.addf %parallel_loop3A_154, %parallel_loop3A_156 : vector<16xf32>
          %parallel_loop3A_158 = arith.mulf %parallel_loop3A_157, %parallel_loop3A_151 : vector<16xf32>
          %parallel_loop3A_159 = arith.constant -19.5527344 : f32
          %parallel_loop3A_160 = vector.broadcast %parallel_loop3A_159 : f32 to vector<16xf32>
          %parallel_loop3A_161 = arith.addf %parallel_loop3A_158, %parallel_loop3A_160 : vector<16xf32>
          %parallel_loop3A_162 = arith.mulf %parallel_loop3A_161, %parallel_loop3A_151 : vector<16xf32>
          %parallel_loop3A_163 = arith.constant 0.998566806 : f32
          %parallel_loop3A_164 = vector.broadcast %parallel_loop3A_163 : f32 to vector<16xf32>
          %parallel_loop3A_165 = arith.addf %parallel_loop3A_162, %parallel_loop3A_164 : vector<16xf32>
          %parallel_loop3A_166 = arith.constant 1 : i32
          %parallel_loop3A_167 = arith.index_cast %parallel_loop3A_121 : i32 to index
          %parallel_loop3A_168 = arith.index_cast %parallel_loop3A_166 : i32 to index
          %parallel_loop3A_169 = arith.index_cast %parallel_loop3A_125 : i32 to index
          %parallel_loop3A_170 = tpu.vector_load %arg11[%parallel_loop3A_167, %parallel_loop3A_168, %parallel_loop3A_169] {strides = array<i32>} : memref<10x6x128xf32, #tpu.memory_space<vmem>>, vector<16xf32>,
          tpu.vector_store %arg11[%parallel_loop3A_167, %parallel_loop3A_168, %parallel_loop3A_169], %parallel_loop3A_165 {strides = array<i32>} : memref<10x6x128xf32, #tpu.memory_space<vmem>>, vector<16xf32>,
          %parallel_loop3A_171 = arith.constant 2 : i32
          %parallel_loop3A_172 = arith.index_cast %parallel_loop3A_121 : i32 to index
          %parallel_loop3A_173 = arith.index_cast %parallel_loop3A_171 : i32 to index
          %parallel_loop3A_174 = arith.index_cast %parallel_loop3A_125 : i32 to index
          %parallel_loop3A_175 = tpu.vector_load %arg9[%parallel_loop3A_172, %parallel_loop3A_173, %parallel_loop3A_174] {strides = array<i32>} : memref<10x4x128xf32, #tpu.memory_space<vmem>>, vector<16xf32>,
          %parallel_loop3A_176 = arith.constant 0.159154937 : f32
          %parallel_loop3A_177 = vector.broadcast %parallel_loop3A_176 : f32 to vector<16xf32>
          %parallel_loop3A_178 = arith.mulf %parallel_loop3A_175, %parallel_loop3A_177 : vector<16xf32>
          %parallel_loop3A_179 = arith.constant 0x4B400000 : f32
          %parallel_loop3A_180 = vector.broadcast %parallel_loop3A_179 : f32 to vector<16xf32>
          %parallel_loop3A_181 = arith.addf %parallel_loop3A_178, %parallel_loop3A_180 : vector<16xf32>
          %parallel_loop3A_182 = arith.constant 0x4B400000 : f32
          %parallel_loop3A_183 = vector.broadcast %parallel_loop3A_182 : f32 to vector<16xf32>
          %parallel_loop3A_184 = arith.subf %parallel_loop3A_181, %parallel_loop3A_183 : vector<16xf32>
          %parallel_loop3A_185 = arith.subf %parallel_loop3A_178, %parallel_loop3A_184 : vector<16xf32>
          %parallel_loop3A_186 = arith.mulf %parallel_loop3A_185, %parallel_loop3A_185 : vector<16xf32>
          %parallel_loop3A_187 = arith.constant -59.5802803 : f32
          %parallel_loop3A_188 = vector.broadcast %parallel_loop3A_187 : f32 to vector<16xf32>
          %parallel_loop3A_189 = arith.mulf %parallel_loop3A_188, %parallel_loop3A_186 : vector<16xf32>
          %parallel_loop3A_190 = arith.constant 61.107296 : f32
          %parallel_loop3A_191 = vector.broadcast %parallel_loop3A_190 : f32 to vector<16xf32>
          %parallel_loop3A_192 = arith.addf %parallel_loop3A_189, %parallel_loop3A_191 : vector<16xf32>
          %parallel_loop3A_193 = arith.mulf %parallel_loop3A_192, %parallel_loop3A_186 : vector<16xf32>
          %parallel_loop3A_194 = arith.constant -19.5527344 : f32
          %parallel_loop3A_195 = vector.broadcast %parallel_loop3A_194 : f32 to vector<16xf32>
          %parallel_loop3A_196 = arith.addf %parallel_loop3A_193, %parallel_loop3A_195 : vector<16xf32>
          %parallel_loop3A_197 = arith.mulf %parallel_loop3A_196, %parallel_loop3A_186 : vector<16xf32>
          %parallel_loop3A_198 = arith.constant 0.998566806 : f32
          %parallel_loop3A_199 = vector.broadcast %parallel_loop3A_198 : f32 to vector<16xf32>
          %parallel_loop3A_200 = arith.addf %parallel_loop3A_197, %parallel_loop3A_199 : vector<16xf32>
          %parallel_loop3A_201 = arith.constant 2 : i32
          %parallel_loop3A_202 = arith.index_cast %parallel_loop3A_121 : i32 to index
          %parallel_loop3A_203 = arith.index_cast %parallel_loop3A_201 : i32 to index
          %parallel_loop3A_204 = arith.index_cast %parallel_loop3A_125 : i32 to index
          %parallel_loop3A_205 = tpu.vector_load %arg11[%parallel_loop3A_202, %parallel_loop3A_203, %parallel_loop3A_204] {strides = array<i32>} : memref<10x6x128xf32, #tpu.memory_space<vmem>>, vector<16xf32>,
          tpu.vector_store %arg11[%parallel_loop3A_202, %parallel_loop3A_203, %parallel_loop3A_204], %parallel_loop3A_200 {strides = array<i32>} : memref<10x6x128xf32, #tpu.memory_space<vmem>>, vector<16xf32>,
          %parallel_loop3A_206 = arith.constant 3 : i32
          %parallel_loop3A_207 = arith.index_cast %parallel_loop3A_121 : i32 to index
          %parallel_loop3A_208 = arith.index_cast %parallel_loop3A_206 : i32 to index
          %parallel_loop3A_209 = arith.index_cast %parallel_loop3A_125 : i32 to index
          %parallel_loop3A_210 = tpu.vector_load %arg9[%parallel_loop3A_207, %parallel_loop3A_208, %parallel_loop3A_209] {strides = array<i32>} : memref<10x4x128xf32, #tpu.memory_space<vmem>>, vector<16xf32>,
          %parallel_loop3A_211 = arith.constant 0.159154937 : f32
          %parallel_loop3A_212 = vector.broadcast %parallel_loop3A_211 : f32 to vector<16xf32>
          %parallel_loop3A_213 = arith.mulf %parallel_loop3A_210, %parallel_loop3A_212 : vector<16xf32>
          %parallel_loop3A_214 = arith.constant 0x4B400000 : f32
          %parallel_loop3A_215 = vector.broadcast %parallel_loop3A_214 : f32 to vector<16xf32>
          %parallel_loop3A_216 = arith.addf %parallel_loop3A_213, %parallel_loop3A_215 : vector<16xf32>
          %parallel_loop3A_217 = arith.constant 0x4B400000 : f32
          %parallel_loop3A_218 = vector.broadcast %parallel_loop3A_217 : f32 to vector<16xf32>
          %parallel_loop3A_219 = arith.subf %parallel_loop3A_216, %parallel_loop3A_218 : vector<16xf32>
          %parallel_loop3A_220 = arith.subf %parallel_loop3A_213, %parallel_loop3A_219 : vector<16xf32>
          %parallel_loop3A_221 = arith.mulf %parallel_loop3A_220, %parallel_loop3A_220 : vector<16xf32>
          %parallel_loop3A_222 = arith.constant -59.5802803 : f32
          %parallel_loop3A_223 = vector.broadcast %parallel_loop3A_222 : f32 to vector<16xf32>
          %parallel_loop3A_224 = arith.mulf %parallel_loop3A_223, %parallel_loop3A_221 : vector<16xf32>
          %parallel_loop3A_225 = arith.constant 61.107296 : f32
          %parallel_loop3A_226 = vector.broadcast %parallel_loop3A_225 : f32 to vector<16xf32>
          %parallel_loop3A_227 = arith.addf %parallel_loop3A_224, %parallel_loop3A_226 : vector<16xf32>
          %parallel_loop3A_228 = arith.mulf %parallel_loop3A_227, %parallel_loop3A_221 : vector<16xf32>
          %parallel_loop3A_229 = arith.constant -19.5527344 : f32
          %parallel_loop3A_230 = vector.broadcast %parallel_loop3A_229 : f32 to vector<16xf32>
          %parallel_loop3A_231 = arith.addf %parallel_loop3A_228, %parallel_loop3A_230 : vector<16xf32>
          %parallel_loop3A_232 = arith.mulf %parallel_loop3A_231, %parallel_loop3A_221 : vector<16xf32>
          %parallel_loop3A_233 = arith.constant 0.998566806 : f32
          %parallel_loop3A_234 = vector.broadcast %parallel_loop3A_233 : f32 to vector<16xf32>
          %parallel_loop3A_235 = arith.addf %parallel_loop3A_232, %parallel_loop3A_234 : vector<16xf32>
          %parallel_loop3A_236 = arith.constant 3 : i32
          %parallel_loop3A_237 = arith.index_cast %parallel_loop3A_121 : i32 to index
          %parallel_loop3A_238 = arith.index_cast %parallel_loop3A_236 : i32 to index
          %parallel_loop3A_239 = arith.index_cast %parallel_loop3A_125 : i32 to index
          %parallel_loop3A_240 = tpu.vector_load %arg11[%parallel_loop3A_237, %parallel_loop3A_238, %parallel_loop3A_239] {strides = array<i32>} : memref<10x6x128xf32, #tpu.memory_space<vmem>>, vector<16xf32>,
          tpu.vector_store %arg11[%parallel_loop3A_237, %parallel_loop3A_238, %parallel_loop3A_239], %parallel_loop3A_235 {strides = array<i32>} : memref<10x6x128xf32, #tpu.memory_space<vmem>>, vector<16xf32>,
          %parallel_loop3A_241 = arith.constant 0 : i32
          %parallel_loop3A_242 = arith.index_cast %parallel_loop3A_121 : i32 to index
          %parallel_loop3A_243 = arith.index_cast %parallel_loop3A_241 : i32 to index
          %parallel_loop3A_244 = arith.index_cast %parallel_loop3A_125 : i32 to index
          %parallel_loop3A_245 = tpu.vector_load %arg7[%parallel_loop3A_242, %parallel_loop3A_243, %parallel_loop3A_244] {strides = array<i32>} : memref<10x2x128xi32, #tpu.memory_space<vmem>>, vector<16xi32>,
          %parallel_loop3A_246 = tpu.vector_load_idx %arg6[%parallel_loop3A_245] : memref<100000xf32, #tpu.memory_space<vmem>>[vector<16xi32>], vector<16xf32>,
          %parallel_loop3A_247 = arith.constant 4 : i32
          %parallel_loop3A_248 = arith.index_cast %parallel_loop3A_121 : i32 to index
          %parallel_loop3A_249 = arith.index_cast %parallel_loop3A_247 : i32 to index
          %parallel_loop3A_250 = arith.index_cast %parallel_loop3A_125 : i32 to index
          %parallel_loop3A_251 = tpu.vector_load %arg11[%parallel_loop3A_248, %parallel_loop3A_249, %parallel_loop3A_250] {strides = array<i32>} : memref<10x6x128xf32, #tpu.memory_space<vmem>>, vector<16xf32>,
          tpu.vector_store %arg11[%parallel_loop3A_248, %parallel_loop3A_249, %parallel_loop3A_250], %parallel_loop3A_246 {strides = array<i32>} : memref<10x6x128xf32, #tpu.memory_space<vmem>>, vector<16xf32>,
          %parallel_loop3A_252 = arith.constant 1 : i32
          %parallel_loop3A_253 = arith.index_cast %parallel_loop3A_121 : i32 to index
          %parallel_loop3A_254 = arith.index_cast %parallel_loop3A_252 : i32 to index
          %parallel_loop3A_255 = arith.index_cast %parallel_loop3A_125 : i32 to index
          %parallel_loop3A_256 = tpu.vector_load %arg7[%parallel_loop3A_253, %parallel_loop3A_254, %parallel_loop3A_255] {strides = array<i32>} : memref<10x2x128xi32, #tpu.memory_space<vmem>>, vector<16xi32>,
          %parallel_loop3A_257 = tpu.vector_load_idx %arg6[%parallel_loop3A_256] : memref<100000xf32, #tpu.memory_space<vmem>>[vector<16xi32>], vector<16xf32>,
          %parallel_loop3A_258 = arith.constant 5 : i32
          %parallel_loop3A_259 = arith.index_cast %parallel_loop3A_121 : i32 to index
          %parallel_loop3A_260 = arith.index_cast %parallel_loop3A_258 : i32 to index
          %parallel_loop3A_261 = arith.index_cast %parallel_loop3A_125 : i32 to index
          %parallel_loop3A_262 = tpu.vector_load %arg11[%parallel_loop3A_259, %parallel_loop3A_260, %parallel_loop3A_261] {strides = array<i32>} : memref<10x6x128xf32, #tpu.memory_space<vmem>>, vector<16xf32>,
          tpu.vector_store %arg11[%parallel_loop3A_259, %parallel_loop3A_260, %parallel_loop3A_261], %parallel_loop3A_257 {strides = array<i32>} : memref<10x6x128xf32, #tpu.memory_space<vmem>>, vector<16xf32>,
        } {sc.loop_unroll_factor = 8 : i64, sc.parallel_access}
        %dma_start3A = arith.constant 0 : i32
        %dma_start3A_114 = arith.constant 0 : i32
        %dma_start3A_115 = tpu.memref_slice %arg5[%mul3A_95, %dma_start3A, %dma_start3A_114] : memref<50000x8x128xf32, #tpu.memory_space<hbm>> -> memref<10x6x128xf32, #tpu.memory_space<hbm>>
        %dma_start3A_116 = arith.constant 0 : i32
        %dma_start3A_117 = arith.constant 0 : i32
        %dma_start3A_118 = tpu.memref_slice %arg5[%mul3A_95, %dma_start3A_116, %dma_start3A_117] : memref<50000x8x128xf32, #tpu.memory_space<hbm>> -> memref<10x6x128xf32, #tpu.memory_space<hbm>>
        tpu.enqueue_dma source(%arg11 : memref<10x6x128xf32, #tpu.memory_space<vmem>>) target(%dma_start3A_118 : memref<10x6x128xf32, #tpu.memory_space<hbm>>) target_semaphore(%arg15 : memref<!tpu.dma_semaphore, #tpu.memory_space<semaphore_mem>>)
      } else {
      }
      %mul3A_71 = arith.constant 2 : i32
      %mul3A_72 = arith.muli %mul3A_71, %scan3A_47 : i32
      %add3A_73 = arith.constant 1 : i32
      %add3A_74 = arith.addi %mul3A_72, %add3A_73 : i32
      %mul3A_75 = arith.constant 32 : i32
      %mul3A_76 = arith.muli %add3A_74, %mul3A_75 : i32
      %add3A_77 = arith.addi %mul3A_76, %add3A : i32
      %add3A_78 = arith.constant 1 : i32
      %add3A_79 = arith.addi %add3A_74, %add3A_78 : i32
      %mul3A_80 = arith.constant 32 : i32
      %mul3A_81 = arith.muli %add3A_79, %mul3A_80 : i32
      %add3A_82 = arith.addi %mul3A_81, %add3A : i32
      %lt3A_83 = arith.constant 5000 : i32
      %lt3A_84 = arith.cmpi slt, %add3A_82, %lt3A_83 : i32
      %convert_element_type3A_85 = arith.extui %lt3A_84 : i1 to i32
      %cond3A_86 = arith.constant 0 : i32
      %cond3A_87 = arith.cmpi ne, %convert_element_type3A_85, %cond3A_86 : i32
      scf.if %cond3A_87 {
        %mul3A_94 = arith.constant 10 : i32
        %mul3A_95 = arith.muli %add3A_82, %mul3A_94 : i32
        %dma_start3A = arith.constant 0 : i32
        %dma_start3A_96 = arith.constant 0 : i32
        %dma_start3A_97 = tpu.memref_slice %arg4[%mul3A_95, %dma_start3A, %dma_start3A_96] : memref<50000x2x128xi32, #tpu.memory_space<hbm>> -> memref<10x2x128xi32, #tpu.memory_space<hbm>>
        %dma_start3A_98 = arith.constant 0 : i32
        %dma_start3A_99 = arith.constant 0 : i32
        %dma_start3A_100 = tpu.memref_slice %arg4[%mul3A_95, %dma_start3A_98, %dma_start3A_99] : memref<50000x2x128xi32, #tpu.memory_space<hbm>> -> memref<10x2x128xi32, #tpu.memory_space<hbm>>
        tpu.enqueue_dma source(%dma_start3A_100 : memref<10x2x128xi32, #tpu.memory_space<hbm>>) target(%arg7 : memref<10x2x128xi32, #tpu.memory_space<vmem>>) target_semaphore(%arg13 : memref<!tpu.dma_semaphore, #tpu.memory_space<semaphore_mem>>)
        %dma_start3A_101 = arith.constant 0 : i32
        %dma_start3A_102 = arith.constant 0 : i32
        %dma_start3A_103 = tpu.memref_slice %arg3[%mul3A_95, %dma_start3A_101, %dma_start3A_102] : memref<50000x4x128xf32, #tpu.memory_space<hbm>> -> memref<10x4x128xf32, #tpu.memory_space<hbm>>
        %dma_start3A_104 = arith.constant 0 : i32
        %dma_start3A_105 = arith.constant 0 : i32
        %dma_start3A_106 = tpu.memref_slice %arg3[%mul3A_95, %dma_start3A_104, %dma_start3A_105] : memref<50000x4x128xf32, #tpu.memory_space<hbm>> -> memref<10x4x128xf32, #tpu.memory_space<hbm>>
        tpu.enqueue_dma source(%dma_start3A_106 : memref<10x4x128xf32, #tpu.memory_space<hbm>>) target(%arg9 : memref<10x4x128xf32, #tpu.memory_space<vmem>>) target_semaphore(%arg13 : memref<!tpu.dma_semaphore, #tpu.memory_space<semaphore_mem>>)
      } else {
      }
      %lt3A_88 = arith.constant 5000 : i32
      %lt3A_89 = arith.cmpi slt, %add3A_77, %lt3A_88 : i32
      %convert_element_type3A_90 = arith.extui %lt3A_89 : i1 to i32
      %cond3A_91 = arith.constant 0 : i32
      %cond3A_92 = arith.cmpi ne, %convert_element_type3A_90, %cond3A_91 : i32
      scf.if %cond3A_92 {
        %mul3A_94 = arith.constant 10 : i32
        %mul3A_95 = arith.muli %add3A_77, %mul3A_94 : i32
        %dma_wait3A = arith.constant 0 : i32
        %dma_wait3A_96 = arith.constant 0 : i32
        %dma_wait3A_97 = tpu.memref_slice %arg4[%mul3A_95, %dma_wait3A, %dma_wait3A_96] : memref<50000x2x128xi32, #tpu.memory_space<hbm>> -> memref<10x2x128xi32, #tpu.memory_space<hbm>>
        %dma_wait3A_98 = arith.constant 0 : i32
        %dma_wait3A_99 = arith.constant 0 : i32
        %dma_wait3A_100 = tpu.memref_slice %arg4[%mul3A_95, %dma_wait3A_98, %dma_wait3A_99] : memref<50000x2x128xi32, #tpu.memory_space<hbm>> -> memref<10x2x128xi32, #tpu.memory_space<hbm>>
        tpu.wait_dma2 semaphore(%arg14 : memref<!tpu.dma_semaphore, #tpu.memory_space<semaphore_mem>>) src(%dma_wait3A_100 : memref<10x2x128xi32, #tpu.memory_space<hbm>>) dst(%arg8 : memref<10x2x128xi32, #tpu.memory_space<vmem>>)
        %dma_wait3A_101 = arith.constant 0 : i32
        %dma_wait3A_102 = arith.constant 0 : i32
        %dma_wait3A_103 = tpu.memref_slice %arg3[%mul3A_95, %dma_wait3A_101, %dma_wait3A_102] : memref<50000x4x128xf32, #tpu.memory_space<hbm>> -> memref<10x4x128xf32, #tpu.memory_space<hbm>>
        %dma_wait3A_104 = arith.constant 0 : i32
        %dma_wait3A_105 = arith.constant 0 : i32
        %dma_wait3A_106 = tpu.memref_slice %arg3[%mul3A_95, %dma_wait3A_104, %dma_wait3A_105] : memref<50000x4x128xf32, #tpu.memory_space<hbm>> -> memref<10x4x128xf32, #tpu.memory_space<hbm>>
        tpu.wait_dma2 semaphore(%arg14 : memref<!tpu.dma_semaphore, #tpu.memory_space<semaphore_mem>>) src(%dma_wait3A_106 : memref<10x4x128xf32, #tpu.memory_space<hbm>>) dst(%arg10 : memref<10x4x128xf32, #tpu.memory_space<vmem>>)
        %ge3A_107 = arith.constant 2 : i32
        %ge3A_108 = arith.cmpi sge, %add3A_74, %ge3A_107 : i32
        %convert_element_type3A_109 = arith.extui %ge3A_108 : i1 to i32
        %cond3A_110 = arith.constant 0 : i32
        %cond3A_111 = arith.cmpi ne, %convert_element_type3A_109, %cond3A_110 : i32
        scf.if %cond3A_111 {
          %sub3A_119 = arith.constant 64 : i32
          %sub3A_120 = arith.subi %add3A_77, %sub3A_119 : i32
          %mul3A_121 = arith.constant 10 : i32
          %mul3A_122 = arith.muli %sub3A_120, %mul3A_121 : i32
          %dma_wait3A_123 = arith.constant 0 : i32
          %dma_wait3A_124 = arith.constant 0 : i32
          %dma_wait3A_125 = tpu.memref_slice %arg5[%mul3A_122, %dma_wait3A_123, %dma_wait3A_124] : memref<50000x8x128xf32, #tpu.memory_space<hbm>> -> memref<10x6x128xf32, #tpu.memory_space<hbm>>
          %dma_wait3A_126 = arith.constant 0 : i32
          %dma_wait3A_127 = arith.constant 0 : i32
          %dma_wait3A_128 = tpu.memref_slice %arg5[%mul3A_122, %dma_wait3A_126, %dma_wait3A_127] : memref<50000x8x128xf32, #tpu.memory_space<hbm>> -> memref<10x6x128xf32, #tpu.memory_space<hbm>>
          tpu.wait_dma2 semaphore(%arg16 : memref<!tpu.dma_semaphore, #tpu.memory_space<semaphore_mem>>) src(%arg12 : memref<10x6x128xf32, #tpu.memory_space<vmem>>) dst(%dma_wait3A_128 : memref<10x6x128xf32, #tpu.memory_space<hbm>>)
        } else {
        }
        %parallel_loop3A = arith.constant 0 : i32
        %parallel_loop3A_112 = arith.constant 80 : i32
        %parallel_loop3A_113 = arith.constant 1 : i32
        scf.for %parallel_loop3A_119 = %parallel_loop3A to %parallel_loop3A_112 step %parallel_loop3A_113  : i32 {
          %parallel_loop3A_120 = arith.constant 3 : i32
          %parallel_loop3A_121 = arith.shrsi %parallel_loop3A_119, %parallel_loop3A_120 : i32
          %parallel_loop3A_122 = arith.constant 7 : i32
          %parallel_loop3A_123 = arith.andi %parallel_loop3A_119, %parallel_loop3A_122 : i32
          %parallel_loop3A_124 = arith.constant 16 : i32
          %parallel_loop3A_125 = arith.muli %parallel_loop3A_124, %parallel_loop3A_123 : i32
          %parallel_loop3A_126 = arith.constant 0 : i32
          %parallel_loop3A_127 = arith.index_cast %parallel_loop3A_121 : i32 to index
          %parallel_loop3A_128 = arith.index_cast %parallel_loop3A_126 : i32 to index
          %parallel_loop3A_129 = arith.index_cast %parallel_loop3A_125 : i32 to index
          %parallel_loop3A_130 = tpu.vector_load %arg10[%parallel_loop3A_127, %parallel_loop3A_128, %parallel_loop3A_129] {strides = array<i32>} : memref<10x4x128xf32, #tpu.memory_space<vmem>>, vector<16xf32>,
          %parallel_loop3A_131 = arith.constant 0 : i32
          %parallel_loop3A_132 = arith.index_cast %parallel_loop3A_121 : i32 to index
          %parallel_loop3A_133 = arith.index_cast %parallel_loop3A_131 : i32 to index
          %parallel_loop3A_134 = arith.index_cast %parallel_loop3A_125 : i32 to index
          %parallel_loop3A_135 = tpu.vector_load %arg12[%parallel_loop3A_132, %parallel_loop3A_133, %parallel_loop3A_134] {strides = array<i32>} : memref<10x6x128xf32, #tpu.memory_space<vmem>>, vector<16xf32>,
          tpu.vector_store %arg12[%parallel_loop3A_132, %parallel_loop3A_133, %parallel_loop3A_134], %parallel_loop3A_130 {strides = array<i32>} : memref<10x6x128xf32, #tpu.memory_space<vmem>>, vector<16xf32>,
          %parallel_loop3A_136 = arith.constant 1 : i32
          %parallel_loop3A_137 = arith.index_cast %parallel_loop3A_121 : i32 to index
          %parallel_loop3A_138 = arith.index_cast %parallel_loop3A_136 : i32 to index
          %parallel_loop3A_139 = arith.index_cast %parallel_loop3A_125 : i32 to index
          %parallel_loop3A_140 = tpu.vector_load %arg10[%parallel_loop3A_137, %parallel_loop3A_138, %parallel_loop3A_139] {strides = array<i32>} : memref<10x4x128xf32, #tpu.memory_space<vmem>>, vector<16xf32>,
          %parallel_loop3A_141 = arith.constant 0.159154937 : f32
          %parallel_loop3A_142 = vector.broadcast %parallel_loop3A_141 : f32 to vector<16xf32>
          %parallel_loop3A_143 = arith.mulf %parallel_loop3A_140, %parallel_loop3A_142 : vector<16xf32>
          %parallel_loop3A_144 = arith.constant 0x4B400000 : f32
          %parallel_loop3A_145 = vector.broadcast %parallel_loop3A_144 : f32 to vector<16xf32>
          %parallel_loop3A_146 = arith.addf %parallel_loop3A_143, %parallel_loop3A_145 : vector<16xf32>
          %parallel_loop3A_147 = arith.constant 0x4B400000 : f32
          %parallel_loop3A_148 = vector.broadcast %parallel_loop3A_147 : f32 to vector<16xf32>
          %parallel_loop3A_149 = arith.subf %parallel_loop3A_146, %parallel_loop3A_148 : vector<16xf32>
          %parallel_loop3A_150 = arith.subf %parallel_loop3A_143, %parallel_loop3A_149 : vector<16xf32>
          %parallel_loop3A_151 = arith.mulf %parallel_loop3A_150, %parallel_loop3A_150 : vector<16xf32>
          %parallel_loop3A_152 = arith.constant -59.5802803 : f32
          %parallel_loop3A_153 = vector.broadcast %parallel_loop3A_152 : f32 to vector<16xf32>
          %parallel_loop3A_154 = arith.mulf %parallel_loop3A_153, %parallel_loop3A_151 : vector<16xf32>
          %parallel_loop3A_155 = arith.constant 61.107296 : f32
          %parallel_loop3A_156 = vector.broadcast %parallel_loop3A_155 : f32 to vector<16xf32>
          %parallel_loop3A_157 = arith.addf %parallel_loop3A_154, %parallel_loop3A_156 : vector<16xf32>
          %parallel_loop3A_158 = arith.mulf %parallel_loop3A_157, %parallel_loop3A_151 : vector<16xf32>
          %parallel_loop3A_159 = arith.constant -19.5527344 : f32
          %parallel_loop3A_160 = vector.broadcast %parallel_loop3A_159 : f32 to vector<16xf32>
          %parallel_loop3A_161 = arith.addf %parallel_loop3A_158, %parallel_loop3A_160 : vector<16xf32>
          %parallel_loop3A_162 = arith.mulf %parallel_loop3A_161, %parallel_loop3A_151 : vector<16xf32>
          %parallel_loop3A_163 = arith.constant 0.998566806 : f32
          %parallel_loop3A_164 = vector.broadcast %parallel_loop3A_163 : f32 to vector<16xf32>
          %parallel_loop3A_165 = arith.addf %parallel_loop3A_162, %parallel_loop3A_164 : vector<16xf32>
          %parallel_loop3A_166 = arith.constant 1 : i32
          %parallel_loop3A_167 = arith.index_cast %parallel_loop3A_121 : i32 to index
          %parallel_loop3A_168 = arith.index_cast %parallel_loop3A_166 : i32 to index
          %parallel_loop3A_169 = arith.index_cast %parallel_loop3A_125 : i32 to index
          %parallel_loop3A_170 = tpu.vector_load %arg12[%parallel_loop3A_167, %parallel_loop3A_168, %parallel_loop3A_169] {strides = array<i32>} : memref<10x6x128xf32, #tpu.memory_space<vmem>>, vector<16xf32>,
          tpu.vector_store %arg12[%parallel_loop3A_167, %parallel_loop3A_168, %parallel_loop3A_169], %parallel_loop3A_165 {strides = array<i32>} : memref<10x6x128xf32, #tpu.memory_space<vmem>>, vector<16xf32>,
          %parallel_loop3A_171 = arith.constant 2 : i32
          %parallel_loop3A_172 = arith.index_cast %parallel_loop3A_121 : i32 to index
          %parallel_loop3A_173 = arith.index_cast %parallel_loop3A_171 : i32 to index
          %parallel_loop3A_174 = arith.index_cast %parallel_loop3A_125 : i32 to index
          %parallel_loop3A_175 = tpu.vector_load %arg10[%parallel_loop3A_172, %parallel_loop3A_173, %parallel_loop3A_174] {strides = array<i32>} : memref<10x4x128xf32, #tpu.memory_space<vmem>>, vector<16xf32>,
          %parallel_loop3A_176 = arith.constant 0.159154937 : f32
          %parallel_loop3A_177 = vector.broadcast %parallel_loop3A_176 : f32 to vector<16xf32>
          %parallel_loop3A_178 = arith.mulf %parallel_loop3A_175, %parallel_loop3A_177 : vector<16xf32>
          %parallel_loop3A_179 = arith.constant 0x4B400000 : f32
          %parallel_loop3A_180 = vector.broadcast %parallel_loop3A_179 : f32 to vector<16xf32>
          %parallel_loop3A_181 = arith.addf %parallel_loop3A_178, %parallel_loop3A_180 : vector<16xf32>
          %parallel_loop3A_182 = arith.constant 0x4B400000 : f32
          %parallel_loop3A_183 = vector.broadcast %parallel_loop3A_182 : f32 to vector<16xf32>
          %parallel_loop3A_184 = arith.subf %parallel_loop3A_181, %parallel_loop3A_183 : vector<16xf32>
          %parallel_loop3A_185 = arith.subf %parallel_loop3A_178, %parallel_loop3A_184 : vector<16xf32>
          %parallel_loop3A_186 = arith.mulf %parallel_loop3A_185, %parallel_loop3A_185 : vector<16xf32>
          %parallel_loop3A_187 = arith.constant -59.5802803 : f32
          %parallel_loop3A_188 = vector.broadcast %parallel_loop3A_187 : f32 to vector<16xf32>
          %parallel_loop3A_189 = arith.mulf %parallel_loop3A_188, %parallel_loop3A_186 : vector<16xf32>
          %parallel_loop3A_190 = arith.constant 61.107296 : f32
          %parallel_loop3A_191 = vector.broadcast %parallel_loop3A_190 : f32 to vector<16xf32>
          %parallel_loop3A_192 = arith.addf %parallel_loop3A_189, %parallel_loop3A_191 : vector<16xf32>
          %parallel_loop3A_193 = arith.mulf %parallel_loop3A_192, %parallel_loop3A_186 : vector<16xf32>
          %parallel_loop3A_194 = arith.constant -19.5527344 : f32
          %parallel_loop3A_195 = vector.broadcast %parallel_loop3A_194 : f32 to vector<16xf32>
          %parallel_loop3A_196 = arith.addf %parallel_loop3A_193, %parallel_loop3A_195 : vector<16xf32>
          %parallel_loop3A_197 = arith.mulf %parallel_loop3A_196, %parallel_loop3A_186 : vector<16xf32>
          %parallel_loop3A_198 = arith.constant 0.998566806 : f32
          %parallel_loop3A_199 = vector.broadcast %parallel_loop3A_198 : f32 to vector<16xf32>
          %parallel_loop3A_200 = arith.addf %parallel_loop3A_197, %parallel_loop3A_199 : vector<16xf32>
          %parallel_loop3A_201 = arith.constant 2 : i32
          %parallel_loop3A_202 = arith.index_cast %parallel_loop3A_121 : i32 to index
          %parallel_loop3A_203 = arith.index_cast %parallel_loop3A_201 : i32 to index
          %parallel_loop3A_204 = arith.index_cast %parallel_loop3A_125 : i32 to index
          %parallel_loop3A_205 = tpu.vector_load %arg12[%parallel_loop3A_202, %parallel_loop3A_203, %parallel_loop3A_204] {strides = array<i32>} : memref<10x6x128xf32, #tpu.memory_space<vmem>>, vector<16xf32>,
          tpu.vector_store %arg12[%parallel_loop3A_202, %parallel_loop3A_203, %parallel_loop3A_204], %parallel_loop3A_200 {strides = array<i32>} : memref<10x6x128xf32, #tpu.memory_space<vmem>>, vector<16xf32>,
          %parallel_loop3A_206 = arith.constant 3 : i32
          %parallel_loop3A_207 = arith.index_cast %parallel_loop3A_121 : i32 to index
          %parallel_loop3A_208 = arith.index_cast %parallel_loop3A_206 : i32 to index
          %parallel_loop3A_209 = arith.index_cast %parallel_loop3A_125 : i32 to index
          %parallel_loop3A_210 = tpu.vector_load %arg10[%parallel_loop3A_207, %parallel_loop3A_208, %parallel_loop3A_209] {strides = array<i32>} : memref<10x4x128xf32, #tpu.memory_space<vmem>>, vector<16xf32>,
          %parallel_loop3A_211 = arith.constant 0.159154937 : f32
          %parallel_loop3A_212 = vector.broadcast %parallel_loop3A_211 : f32 to vector<16xf32>
          %parallel_loop3A_213 = arith.mulf %parallel_loop3A_210, %parallel_loop3A_212 : vector<16xf32>
          %parallel_loop3A_214 = arith.constant 0x4B400000 : f32
          %parallel_loop3A_215 = vector.broadcast %parallel_loop3A_214 : f32 to vector<16xf32>
          %parallel_loop3A_216 = arith.addf %parallel_loop3A_213, %parallel_loop3A_215 : vector<16xf32>
          %parallel_loop3A_217 = arith.constant 0x4B400000 : f32
          %parallel_loop3A_218 = vector.broadcast %parallel_loop3A_217 : f32 to vector<16xf32>
          %parallel_loop3A_219 = arith.subf %parallel_loop3A_216, %parallel_loop3A_218 : vector<16xf32>
          %parallel_loop3A_220 = arith.subf %parallel_loop3A_213, %parallel_loop3A_219 : vector<16xf32>
          %parallel_loop3A_221 = arith.mulf %parallel_loop3A_220, %parallel_loop3A_220 : vector<16xf32>
          %parallel_loop3A_222 = arith.constant -59.5802803 : f32
          %parallel_loop3A_223 = vector.broadcast %parallel_loop3A_222 : f32 to vector<16xf32>
          %parallel_loop3A_224 = arith.mulf %parallel_loop3A_223, %parallel_loop3A_221 : vector<16xf32>
          %parallel_loop3A_225 = arith.constant 61.107296 : f32
          %parallel_loop3A_226 = vector.broadcast %parallel_loop3A_225 : f32 to vector<16xf32>
          %parallel_loop3A_227 = arith.addf %parallel_loop3A_224, %parallel_loop3A_226 : vector<16xf32>
          %parallel_loop3A_228 = arith.mulf %parallel_loop3A_227, %parallel_loop3A_221 : vector<16xf32>
          %parallel_loop3A_229 = arith.constant -19.5527344 : f32
          %parallel_loop3A_230 = vector.broadcast %parallel_loop3A_229 : f32 to vector<16xf32>
          %parallel_loop3A_231 = arith.addf %parallel_loop3A_228, %parallel_loop3A_230 : vector<16xf32>
          %parallel_loop3A_232 = arith.mulf %parallel_loop3A_231, %parallel_loop3A_221 : vector<16xf32>
          %parallel_loop3A_233 = arith.constant 0.998566806 : f32
          %parallel_loop3A_234 = vector.broadcast %parallel_loop3A_233 : f32 to vector<16xf32>
          %parallel_loop3A_235 = arith.addf %parallel_loop3A_232, %parallel_loop3A_234 : vector<16xf32>
          %parallel_loop3A_236 = arith.constant 3 : i32
          %parallel_loop3A_237 = arith.index_cast %parallel_loop3A_121 : i32 to index
          %parallel_loop3A_238 = arith.index_cast %parallel_loop3A_236 : i32 to index
          %parallel_loop3A_239 = arith.index_cast %parallel_loop3A_125 : i32 to index
          %parallel_loop3A_240 = tpu.vector_load %arg12[%parallel_loop3A_237, %parallel_loop3A_238, %parallel_loop3A_239] {strides = array<i32>} : memref<10x6x128xf32, #tpu.memory_space<vmem>>, vector<16xf32>,
          tpu.vector_store %arg12[%parallel_loop3A_237, %parallel_loop3A_238, %parallel_loop3A_239], %parallel_loop3A_235 {strides = array<i32>} : memref<10x6x128xf32, #tpu.memory_space<vmem>>, vector<16xf32>,
          %parallel_loop3A_241 = arith.constant 0 : i32
          %parallel_loop3A_242 = arith.index_cast %parallel_loop3A_121 : i32 to index
          %parallel_loop3A_243 = arith.index_cast %parallel_loop3A_241 : i32 to index
          %parallel_loop3A_244 = arith.index_cast %parallel_loop3A_125 : i32 to index
          %parallel_loop3A_245 = tpu.vector_load %arg8[%parallel_loop3A_242, %parallel_loop3A_243, %parallel_loop3A_244] {strides = array<i32>} : memref<10x2x128xi32, #tpu.memory_space<vmem>>, vector<16xi32>,
          %parallel_loop3A_246 = tpu.vector_load_idx %arg6[%parallel_loop3A_245] : memref<100000xf32, #tpu.memory_space<vmem>>[vector<16xi32>], vector<16xf32>,
          %parallel_loop3A_247 = arith.constant 4 : i32
          %parallel_loop3A_248 = arith.index_cast %parallel_loop3A_121 : i32 to index
          %parallel_loop3A_249 = arith.index_cast %parallel_loop3A_247 : i32 to index
          %parallel_loop3A_250 = arith.index_cast %parallel_loop3A_125 : i32 to index
          %parallel_loop3A_251 = tpu.vector_load %arg12[%parallel_loop3A_248, %parallel_loop3A_249, %parallel_loop3A_250] {strides = array<i32>} : memref<10x6x128xf32, #tpu.memory_space<vmem>>, vector<16xf32>,
          tpu.vector_store %arg12[%parallel_loop3A_248, %parallel_loop3A_249, %parallel_loop3A_250], %parallel_loop3A_246 {strides = array<i32>} : memref<10x6x128xf32, #tpu.memory_space<vmem>>, vector<16xf32>,
          %parallel_loop3A_252 = arith.constant 1 : i32
          %parallel_loop3A_253 = arith.index_cast %parallel_loop3A_121 : i32 to index
          %parallel_loop3A_254 = arith.index_cast %parallel_loop3A_252 : i32 to index
          %parallel_loop3A_255 = arith.index_cast %parallel_loop3A_125 : i32 to index
          %parallel_loop3A_256 = tpu.vector_load %arg8[%parallel_loop3A_253, %parallel_loop3A_254, %parallel_loop3A_255] {strides = array<i32>} : memref<10x2x128xi32, #tpu.memory_space<vmem>>, vector<16xi32>,
          %parallel_loop3A_257 = tpu.vector_load_idx %arg6[%parallel_loop3A_256] : memref<100000xf32, #tpu.memory_space<vmem>>[vector<16xi32>], vector<16xf32>,
          %parallel_loop3A_258 = arith.constant 5 : i32
          %parallel_loop3A_259 = arith.index_cast %parallel_loop3A_121 : i32 to index
          %parallel_loop3A_260 = arith.index_cast %parallel_loop3A_258 : i32 to index
          %parallel_loop3A_261 = arith.index_cast %parallel_loop3A_125 : i32 to index
          %parallel_loop3A_262 = tpu.vector_load %arg12[%parallel_loop3A_259, %parallel_loop3A_260, %parallel_loop3A_261] {strides = array<i32>} : memref<10x6x128xf32, #tpu.memory_space<vmem>>, vector<16xf32>,
          tpu.vector_store %arg12[%parallel_loop3A_259, %parallel_loop3A_260, %parallel_loop3A_261], %parallel_loop3A_257 {strides = array<i32>} : memref<10x6x128xf32, #tpu.memory_space<vmem>>, vector<16xf32>,
        } {sc.loop_unroll_factor = 8 : i64, sc.parallel_access}
        %dma_start3A = arith.constant 0 : i32
        %dma_start3A_114 = arith.constant 0 : i32
        %dma_start3A_115 = tpu.memref_slice %arg5[%mul3A_95, %dma_start3A, %dma_start3A_114] : memref<50000x8x128xf32, #tpu.memory_space<hbm>> -> memref<10x6x128xf32, #tpu.memory_space<hbm>>
        %dma_start3A_116 = arith.constant 0 : i32
        %dma_start3A_117 = arith.constant 0 : i32
        %dma_start3A_118 = tpu.memref_slice %arg5[%mul3A_95, %dma_start3A_116, %dma_start3A_117] : memref<50000x8x128xf32, #tpu.memory_space<hbm>> -> memref<10x6x128xf32, #tpu.memory_space<hbm>>
        tpu.enqueue_dma source(%arg12 : memref<10x6x128xf32, #tpu.memory_space<vmem>>) target(%dma_start3A_118 : memref<10x6x128xf32, #tpu.memory_space<hbm>>) target_semaphore(%arg16 : memref<!tpu.dma_semaphore, #tpu.memory_space<semaphore_mem>>)
      } else {
      }
      %scan3A_93 = arith.constant 0 : i32
      scf.yield %scan3A_93 : i32
    }
    %scan3A_10 = arith.constant 79 : i32
    %sub3A = arith.constant 4999 : i32
    %sub3A_11 = arith.subi %sub3A, %add3A : i32
    %jit3A = arith.constant 32 : i32
    %div3A = arith.divsi %sub3A_11, %jit3A : i32
    %sign3A = arith.constant 0 : i32
    %sign3A_12 = arith.cmpi sgt, %sub3A_11, %sign3A : i32
    %sign3A_13 = arith.extui %sign3A_12 : i1 to i32
    %sign3A_14 = arith.constant 0 : i32
    %sign3A_15 = arith.cmpi slt, %sub3A_11, %sign3A_14 : i32
    %sign3A_16 = arith.extui %sign3A_15 : i1 to i32
    %sign3A_17 = arith.subi %sign3A_13, %sign3A_16 : i32
    %sign3A_18 = arith.constant 0 : i32
    %sign3A_19 = arith.cmpi sgt, %jit3A, %sign3A_18 : i32
    %sign3A_20 = arith.extui %sign3A_19 : i1 to i32
    %sign3A_21 = arith.constant 0 : i32
    %sign3A_22 = arith.cmpi slt, %jit3A, %sign3A_21 : i32
    %sign3A_23 = arith.extui %sign3A_22 : i1 to i32
    %sign3A_24 = arith.subi %sign3A_20, %sign3A_23 : i32
    %ne3A = arith.cmpi ne, %sign3A_17, %sign3A_24 : i32
    %rem3A = arith.remsi %sub3A_11, %jit3A : i32
    %ne3A_25 = arith.constant 0 : i32
    %ne3A_26 = arith.cmpi ne, %rem3A, %ne3A_25 : i32
    %and3A = arith.andi %ne3A, %ne3A_26 : i1
    %sub3A_27 = arith.constant 1 : i32
    %sub3A_28 = arith.subi %div3A, %sub3A_27 : i32
    %select_n3A = arith.select %and3A, %sub3A_28, %div3A : i32
    %xor3A = arith.constant 0 : i32
    %xor3A_29 = arith.xori %select_n3A, %xor3A : i32
    %and3A_30 = arith.constant 1 : i32
    %and3A_31 = arith.andi %xor3A_29, %and3A_30 : i32
    %sub3A_32 = arith.subi %select_n3A, %and3A_31 : i32
    %ge3A = arith.constant 0 : i32
    %ge3A_33 = arith.cmpi sge, %sub3A_32, %ge3A : i32
    %convert_element_type3A_34 = arith.extui %ge3A_33 : i1 to i32
    %cond3A_35 = arith.constant 0 : i32
    %cond3A_36 = arith.cmpi ne, %convert_element_type3A_34, %cond3A_35 : i32
    scf.if %cond3A_36 {
      %mul3A_47 = arith.constant 32 : i32
      %mul3A_48 = arith.muli %sub3A_32, %mul3A_47 : i32
      %add3A_49 = arith.addi %mul3A_48, %add3A : i32
      %mul3A_50 = arith.constant 10 : i32
      %mul3A_51 = arith.muli %add3A_49, %mul3A_50 : i32
      %dma_wait3A = arith.constant 0 : i32
      %dma_wait3A_52 = arith.constant 0 : i32
      %dma_wait3A_53 = tpu.memref_slice %arg5[%mul3A_51, %dma_wait3A, %dma_wait3A_52] : memref<50000x8x128xf32, #tpu.memory_space<hbm>> -> memref<10x6x128xf32, #tpu.memory_space<hbm>>
      %dma_wait3A_54 = arith.constant 0 : i32
      %dma_wait3A_55 = arith.constant 0 : i32
      %dma_wait3A_56 = tpu.memref_slice %arg5[%mul3A_51, %dma_wait3A_54, %dma_wait3A_55] : memref<50000x8x128xf32, #tpu.memory_space<hbm>> -> memref<10x6x128xf32, #tpu.memory_space<hbm>>
      tpu.wait_dma2 semaphore(%arg15 : memref<!tpu.dma_semaphore, #tpu.memory_space<semaphore_mem>>) src(%arg11 : memref<10x6x128xf32, #tpu.memory_space<vmem>>) dst(%dma_wait3A_56 : memref<10x6x128xf32, #tpu.memory_space<hbm>>)
    } else {
    }
    %xor3A_37 = arith.constant 1 : i32
    %xor3A_38 = arith.xori %select_n3A, %xor3A_37 : i32
    %and3A_39 = arith.constant 1 : i32
    %and3A_40 = arith.andi %xor3A_38, %and3A_39 : i32
    %sub3A_41 = arith.subi %select_n3A, %and3A_40 : i32
    %ge3A_42 = arith.constant 0 : i32
    %ge3A_43 = arith.cmpi sge, %sub3A_41, %ge3A_42 : i32
    %convert_element_type3A_44 = arith.extui %ge3A_43 : i1 to i32
    %cond3A_45 = arith.constant 0 : i32
    %cond3A_46 = arith.cmpi ne, %convert_element_type3A_44, %cond3A_45 : i32
    scf.if %cond3A_46 {
      %mul3A_47 = arith.constant 32 : i32
      %mul3A_48 = arith.muli %sub3A_41, %mul3A_47 : i32
      %add3A_49 = arith.addi %mul3A_48, %add3A : i32
      %mul3A_50 = arith.constant 10 : i32
      %mul3A_51 = arith.muli %add3A_49, %mul3A_50 : i32
      %dma_wait3A = arith.constant 0 : i32
      %dma_wait3A_52 = arith.constant 0 : i32
      %dma_wait3A_53 = tpu.memref_slice %arg5[%mul3A_51, %dma_wait3A, %dma_wait3A_52] : memref<50000x8x128xf32, #tpu.memory_space<hbm>> -> memref<10x6x128xf32, #tpu.memory_space<hbm>>
      %dma_wait3A_54 = arith.constant 0 : i32
      %dma_wait3A_55 = arith.constant 0 : i32
      %dma_wait3A_56 = tpu.memref_slice %arg5[%mul3A_51, %dma_wait3A_54, %dma_wait3A_55] : memref<50000x8x128xf32, #tpu.memory_space<hbm>> -> memref<10x6x128xf32, #tpu.memory_space<hbm>>
      tpu.wait_dma2 semaphore(%arg16 : memref<!tpu.dma_semaphore, #tpu.memory_space<semaphore_mem>>) src(%arg12 : memref<10x6x128xf32, #tpu.memory_space<vmem>>) dst(%dma_wait3A_56 : memref<10x6x128xf32, #tpu.memory_space<hbm>>)
    } else {
    }
    return
  }
}

</mosaic_0001>

<sc_bundles>
// kernel: kernel.3.cloned.1.call-start
scs
__scs_entry_jumppad:
0x0: {  	(pc) =	sbr.rel $0x88, $3  }
0x1: {  	(tag) =	ssettag $0x0;
	lr =	simm.s32 $0x1  }
0x2: {  	[smem:$0x3F9E] =	sst lr;
	_ =	strace $0xD0000000  }
0x3: {  	_ = 	snop  }
0x4: {  	_ = 	snop  }
0x5: {  	_ = 	snop  }
0x6: {  	_ = 	snop  }
0x7: {  	_ = 	snop  }
__scs_overlays_trampoline_lowered:
0x8: {  	[smem:$0x3FAD] =	sst s0  }
0x9: {  	[smem:$0x3FAE] =	sst s1  }
0xa: {  	[smem:$0x3FAF] =	sst s2  }
0xb: {  	[smem:$0x3FB0] =	sst s3  }
0xc: {  	[smem:$0x3FB1] =	sst s4  }
0xd: {  	[smem:$0x3FB2] =	sst s5  }
0xe: {  	[smem:$0x3FB3] =	sst s6  }
0xf: {  	[smem:$0x3FB4] =	sst s7  }
0x10: {  	[smem:$0x3FB5] =	sst s8  }
0x11: {  	[smem:$0x3FB6] =	sst s9;
	s0 =	simm.s32 @!p0 $0x0  }
0x12: {  	s1 =	sld [smem:$0x3F9C];
	s0 =	simm.s32 @p0 $0x1  }
0x13: {  	[smem:$0x3FB7] =	sst s0;
	s0 =	simm.s32 @!p1 $0x0  }
0x14: {  	s2 =	sld [smem:$0x3F9B];
	s0 =	simm.s32 @p1 $0x1  }
0x15: {  	[smem:$0x3FB8] =	sst s0;
	s0 =	simm.s32 @!p2 $0x0  }
0x16: {  	s3 =	sld [smem:$0x3FDB];
	s0 =	simm.s32 @p2 $0x1  }
0x17: {  	s4 =	simm.s32 $0x1BF5;
	[smem:$0x3FBA] =	sst s0  }
0x18: {  	s0 =	sld [smem:$0x3F9D];
	_ =	swait.ge [sflag:s4], $0x0  }
0x19: {  	s7 =	sld [smem:$0x3F9E]  }
0x1a: {  	s8 =	sadd.s32 $0xFFFFE003, lr  }
0x1b: {  	s9 =	sadd.s32 $0xFFFFFEF7, lr;
	s5 =	simm.s32 $0xFFFFFFFF;
	p2 =	slt.u32 s8, $0xFFFFF086  }
0x1c: {  	p1 =	slt.u32 s9, $0xF7A;
	s5 =	simm.s32 @!p2 $0x0  }
0x1d: {  	s5 =	simm.s32 @p1 $0x1;
	p0 =	seq.s32 s7, s2  }
0x1e: {  	s7 =	smul.u32 @!p0 $0xF7A, s2;
	p2 =	seq.s32 @!p0 s5, $0x0  }
0x1f: {  	s9 =	smul.u32 $0xF7A, s1;
	s8 =	simm.s32 @!p0 $0x1BF5;
	p2 =	por !p2, p0  }
0x20: {  	[sflag:s8] =	ssyncset.s32 @!p0 $0xFFFFF086;
	s6 =	sadd.s32 @!p0 s3, s7;
	s7 =	simm.s32 @!p0 $0x108  }
0x21: {  	s3 =	sadd.s32 s3, s9;
	s6 =	sadd.s32 @!p0 $0x88, s6;
	s7 =	simm.s32 @p2 $0x1082  }
0x22: {  	[simem:s7], [sflag:s8] =	dma.local @!p0 [hbm:s6], $0xF7A  }
0x23: {  	s9 =	sor.u32 $0xD0000000, s2;
	s6 =	simm.s32 $0x108;
	_ =	swait.ge @!p0 [sflag:s8], $0x0  }
0x24: {  	s3 =	sadd.s32 $0x88, s3;
	s6 =	simm.s32 @!p1 $0x1082;
	[sflag:s4] =	ssyncset.s32 $0xFFFFF086  }
0x25: {  	[simem:s6], [sflag:s4] =	dma.local [hbm:s3], $0xF7A  }
0x26: {  	[smem:$0x3F9E] =	sst s1;
	(tag) =	ssettag s2;
	_ =	strace s9  }
0x27: {  	s1 =	sld [smem:$0x3FAE]  }
0x28: {  	s2 =	sld [smem:$0x3FAF]  }
0x29: {  	s4 =	sld [smem:$0x3FB1]  }
0x2a: {  	p0 =	seq.s32 s5, $0x0;
	s5 =	sld [smem:$0x3FB2]  }
0x2b: {  	s6 =	sld [smem:$0x3FB3]  }
0x2c: {  	s7 =	sld [smem:$0x3FB4]  }
0x2d: {  	s3 =	simm.s32 $0x108;
	s8 =	sld [smem:$0x3FB5]  }
0x2e: {  	s3 =	simm.s32 @!p0 $0x1082;
	s9 =	sld [smem:$0x3FB6]  }
0x2f: {  	lr =	sadd.s32 s0, s3;
	s0 =	sld [smem:$0x3FAD]  }
0x30: {  	s3 =	sld [smem:$0x3FB0]  }
0x31: {  	[smem:$0x3FB9] =	sst s10  }
0x32: {  	s10 =	sld [smem:$0x3FB7];
	_ =	sdelay $0x3  }
0x33: {  	p0 =	seq.s32 s10, $0x1;
	s10 =	sld [smem:$0x3FB9];
	_ =	sdelay $0x3  }
0x34: {  	[smem:$0x3FB9] =	sst s10  }
0x35: {  	s10 =	sld [smem:$0x3FB8];
	_ =	sdelay $0x3  }
0x36: {  	p1 =	seq.s32 s10, $0x1;
	s10 =	sld [smem:$0x3FB9];
	_ =	sdelay $0x3  }
0x37: {  	[smem:$0x3FB9] =	sst s10  }
0x38: {  	s10 =	sld [smem:$0x3FBA]  }
0x39: {  	_ = 	snop;
	(pc) =	sbr.ind lr, $3  }
0x3a: {  	_ = 	snop  }
0x3b: {  	_ = 	snop  }
0x3c: {  	p2 =	seq.s32 s10, $0x1;
	s10 =	sld [smem:$0x3FB9]  }
0x3d: {  	_ =	shalt  }
0x3e: {  	_ =	shalt  }
0x3f: {  	_ =	shalt  }
0x40: {  	_ =	shalt  }
0x41: {  	_ =	shalt  }
0x42: {  	_ =	shalt  }
0x43: {  	_ =	shalt  }
0x44: {  	_ =	shalt  }
0x45: {  	_ =	shalt  }
0x46: {  	_ =	shalt  }
0x47: {  	_ =	shalt  }
0x48: {  	_ =	shalt  }
0x49: {  	_ =	shalt  }
0x4a: {  	_ =	shalt  }
0x4b: {  	_ =	shalt  }
0x4c: {  	_ =	shalt  }
0x4d: {  	_ =	shalt  }
0x4e: {  	_ =	shalt  }
0x4f: {  	_ =	shalt  }
0x50: {  	_ =	shalt  }
0x51: {  	_ =	shalt  }
0x52: {  	_ =	shalt  }
0x53: {  	_ =	shalt  }
0x54: {  	_ =	shalt  }
0x55: {  	_ =	shalt  }
0x56: {  	_ =	shalt  }
0x57: {  	_ =	shalt  }
0x58: {  	_ =	shalt  }
0x59: {  	_ =	shalt  }
0x5a: {  	_ =	shalt  }
0x5b: {  	_ =	shalt  }
0x5c: {  	_ =	shalt  }
0x5d: {  	_ =	shalt  }
0x5e: {  	_ =	shalt  }
0x5f: {  	_ =	shalt  }
0x60: {  	_ =	shalt  }
0x61: {  	_ =	shalt  }
0x62: {  	_ =	shalt  }
0x63: {  	_ =	shalt  }
0x64: {  	_ =	shalt  }
0x65: {  	_ =	shalt  }
0x66: {  	_ =	shalt  }
0x67: {  	_ =	shalt  }
0x68: {  	_ =	shalt  }
0x69: {  	_ =	shalt  }
0x6a: {  	_ =	shalt  }
0x6b: {  	_ =	shalt  }
0x6c: {  	_ =	shalt  }
0x6d: {  	_ =	shalt  }
0x6e: {  	_ =	shalt  }
0x6f: {  	_ =	shalt  }
0x70: {  	_ =	shalt  }
0x71: {  	_ =	shalt  }
0x72: {  	_ =	shalt  }
0x73: {  	_ =	shalt  }
0x74: {  	_ =	shalt  }
0x75: {  	_ =	shalt  }
0x76: {  	_ =	shalt  }
0x77: {  	_ =	shalt  }
0x78: {  	_ =	shalt  }
0x79: {  	_ =	shalt  }
0x7a: {  	_ =	shalt  }
0x7b: {  	_ =	shalt  }
0x7c: {  	_ =	shalt  }
0x7d: {  	_ =	shalt  }
0x7e: {  	_ =	shalt  }
0x7f: {  	_ =	shalt  }
0x80: {  	_ =	shalt  }
0x81: {  	_ =	shalt  }
0x82: {  	_ =	shalt  }
0x83: {  	_ =	shalt  }
0x84: {  	_ =	shalt  }
0x85: {  	_ =	shalt  }
0x86: {  	_ =	shalt  }
0x87: {  	_ =	shalt  }
.Lfunc_end0:
.L_simem_size_0:
called_computation_lowered:
.L_overlay_start_0:
0x88: {  	s2 =	sld [smem:$0x3FD9]  }
0x89: {  	s3 =	sld [smem:$0x3FFE];
	_ =	sdelay $0x1  }
0x8a: {  	s1 =	srdreg.scid  }
0x8b: {  	s0 =	sand.u32 $0x1, s1  }
0x8c: {  	s18 =	sshll.u32 s0, $0xA;
	s2 =	sadd.s32 s3, s2  }
0x8d: {  	s2 =	sadd.s32 s2, s18  }
0x8e: {  	[smem:$0x3FC5] =	sst s2  }
0x8f: {  	_ = 	snop  }
0x90: {  	s2 =	sld [smem:$0x3FC9]  }
0x91: {  	s19 =	sld [smem:$0x3FC8]  }
0x92: {  	s4 =	sld [smem:$0x3FC7]  }
0x93: {  	s5 =	sld [smem:$0x3FD0];
	(tm) =	ssettm $0x1  }
0x94: {  	s6 =	sld [smem:$0x3FFB];
	_ =	sdelay $0x3  }
0x95: {  	_ =	strace s6  }
0x96: {  	s6 =	sld [smem:$0x3FFC];
	_ =	sdelay $0x3  }
0x97: {  	_ =	strace s6  }
0x98: {  	s6 =	sld [smem:$0x3FFD];
	_ =	sdelay $0x3  }
0x99: {  	_ =	strace s6  }
0x9a: {  	_ =	strace $0x8FFFFFFF  }
0x9b: {  	s20 =	sld [smem:$0x3FDB];
	_ =	sdelay $0x1  }
0x9c: {  	s7 =	simm.s32 $_scs_section_size  }
0x9d: {  	s8 =	simm.s32 $_size__tile_overlayer_lowered;
	s9 =	simm.s32 $_tile_overlayer_lowered  }
0x9e: {  	s23 =	simm.s32 $0x1BFF;
	s22 =	sshll.u32 s9, $0x1;
	s6 =	sadd.s32 s7, s20  }
0x9f: {  	s10 =	simm.s32 $0x0;
	s21 =	sshll.u32 s8, $0x1;
	s8 =	sadd.s32 s22, s6  }
0xa0: {  	[timem:s10], [sflag:s23] =	dma.local [hbm:s8], s21  }
0xa1: {  	_ =	swait.ge [sflag:s23], s21  }
0xa2: {  	s7 =	ssub.s32 $0x0, s21;
	[sflag:s23] =	ssyncset.done $0x0  }
0xa3: {  	[sflag:s23] =	ssyncadd.s32 s7;
	_ =	sdelay $0x1  }
0xa4: {  	s24 =	simm.s32 $0x1B8B  }
0xa5: {  	_ =	swait.ge [sflag:s24], $0x1  }
0xa6: {  	[sflag:s24] =	ssyncset.done $0x0  }
0xa7: {  	s25 =	simm.s32 $0x1B8E;
	[sflag:s24] =	ssyncadd.s32 $0xFFFFFFFF  }
0xa8: {  	s26 =	simm.s32 $execute0_lowered;
	[smem:$0x3FD2] =	sst s25  }
0xa9: {  	s7 =	sshll.u32 s26, $0x1;
	_ =	strace $0x80000046;
	[dreg:$0x1] =	wrdreg $0xFFFFFFFF  }
0xaa: {  	s28 =	simm.s32 $_size_execute0_lowered;
	s6 =	sadd.s32 s6, s7;
	[dreg:$0x0] =	wrdreg $0x0  }
0xab: {  	s7 =	sshll.u32 s28, $0x1;
	[dreg:$0x2] =	wrdreg s6  }
0xac: {  	[dreg:$0x3] =	wrdreg s7  }
0xad: {  	[dreg:$0x4] =	wrdreg $0xC0  }
0xae: {  	_ =	task [dreg:s10], $0x5FFFF  }
0xaf: {  	[dreg:$0x1] =	wrdreg $0xFFFFFFFF  }
0xb0: {  	[dreg:$0x0] =	wrdreg $0x60  }
0xb1: {  	[dreg:$0x2] =	wrdreg s2  }
0xb2: {  	[dreg:$0x3] =	wrdreg s19  }
0xb3: {  	[dreg:$0x4] =	wrdreg s4  }
0xb4: {  	[dreg:$0x5] =	wrdreg s5  }
0xb5: {  	[dreg:$0x6] =	wrdreg $0x9  }
0xb6: {  	_ =	task.clear_ibuf [dreg:s10], $0x7FFFF;
	_ =	strace $0x90000046  }
0xb7: {  	s29 =	simm.s32 $0x9;
	_ =	strace $0x80000048  }
0xb8: {  	_ =	swait.ge [sflag:s29], $0x1  }
0xb9: {  	[sflag:s29] =	ssyncadd.s32 $0xFFFFFFFF  }
0xba: {  	_ =	strace $0x90000048  }
0xbb: {  	_ =	sfence  }
0xbc: {  	s30 =	sld [smem:$0x0];
	_ =	sdelay $0x2  }
0xbd: {  	s31 =	sshll.u32 s1, $0xD;
	s1 =	sshrl.u32 s1, $0x2  }
0xbe: {  	s3 =	sand.u32 $0x4000, s31;
	s1 =	sadd.s32 s1, s30  }
0xbf: {  	s0 =	sor.u32 s3, s0;
	s1 =	sshll.u32 s1, $0x11  }
0xc0: {  	s0 =	sor.u32 s1, s0  }
0xc1: {  	s0 =	sadd.s32 $0x8F2B, s0  }
0xc2: {  	[sflag:s0] =	ssyncadd.remote.s32 $0x1  }
0xc3: {  	_ =	sfence.sel $0xFFFF  }
0xc4: {  	[dreg:$0x0] =	wrdreg $0xFFFFFFFF;
	(pc) =	sbr.abs _section_cstart, $3  }
0xc5: {  	[dreg:$0x1] =	wrdreg $0xFFFFFFFF  }
0xc6: {  	_ =	task.clear_ibuf [dreg:s10], $0x2FFFF;
	_ =	strace $0x9FFFFFFF  }
0xc7: {  	(tm) =	ssettm $0x7FFFFFFF  }
tec
execute0_lowered:
.L_overlay_start_1:
0x0: {  	(tag) =	ssettag $0x1  }
0x1: {  	s2 =	rddreg [dreg:$0x1]  }
0x2: {  	s4 =	rddreg [dreg:$0x2]  }
0x3: {  	s0 =	srdreg.scid;
	s1 =	stileid.u32  }
0x4: {  	s5 =	rddreg [dreg:$0x3];
	s7 =	simm.s32 $0x0;
	s13 =	simm.s32 $0x19AA0  }
0x5: {  	s14 =	simm.s32 $0x3;
	s15 =	simm.s32 $0x1;
	s16 =	simm.s32 $0x300  }
0x6: {  	s17 =	simm.s32 $0x400;
	s18 =	simm.s32 $0x1C2A0;
	s19 =	simm.s32 $0x2  }
0x7: {  	s20 =	simm.s32 $0x1E0A0;
	s0 =	sand.u32 $0x1, s0;
	s1 =	sshll.u32 s1, $0x1  }
.Ltmp0:
0x8: {  	s21 =	simm.s32 $0x4;
	s6 =	sor.u32 s0, s1;
	(pc) =	sbr.rel .LBB2_1-.Ltmp0, $4  }
0x9: {  	s22 =	simm.s32 $0x0;
	s0 =	ssub.s32 $0x2, s0;
	s1 =	smul.u32 $0x140, s6  }
0xa: {  	[smem:$0x7FF] =	sst s7;
	s3 =	sshrl.u32 s0, $0x1;
	s9 =	smul.u32 $0x280, s6  }
0xb: {  	_ =	strace $0x80000047;
	s10 =	sor.u32 $0x40, s6;
	s0 =	ssub.s32 s0, s3  }
0xc: {  	s8 =	sadd.s32 s4, s1;
	s9 =	sadd.s32 s2, s9;
	s11 =	smax.u32 s0, $0x1  }
.LBB2_11:
0xd: {  	s22 =	sadd.s32 $0x1, s22  }
0xe: {  	_ =	swait.ge [sflag:s14], $0x1E00;
	p0 =	sne.s32 s22, s11  }
.Ltmp1:
0xf: {  	[sflag:s14] =	ssyncset.done $0x0;
	(pc) =	sbr.rel @!p0 .LBB2_12-.Ltmp1, $4  }
0x10: {  	[sflag:s14] =	ssyncadd.s32 $0xFFFFE200  }
0x11: {  	_ =	swait.ge [sflag:s21], $0x1E00  }
0x12: {  	[sflag:s21] =	ssyncset.done $0x0  }
0x13: {  	[sflag:s21] =	ssyncadd.s32 $0xFFFFE200  }
.LBB2_1:
0x14: {  	s0 =	rddreg [dreg:$0x0]  }
0x15: {  	[tilespmem:s7], [sflag:$0x3] =	stream.linear.gather [hbm4b:s0+s7], $0x186A0, $0x38;
	[tilespmem:$0x1FEA0] =	vst v63  }
0x16: {  	s31 =	simm.s32 $0x186A0  }
0x17: {  	[tilespmem:s31], [sflag:$0x1] =	stream.linear.gather [hbm4b:s8+s7], $0xA00, $0x38;
	[tilespmem:$0x1FEA0] =	vst v63  }
.Ltmp2:
0x18: {  	_ = 	snop;
	(pc) =	sbr.rel .LBB2_2-.Ltmp2, $4  }
0x19: {  	[tilespmem:s13], [sflag:$0x1] =	stream.linear.gather [hbm4b:s9+s7], $0x1400, $0x38;
	[tilespmem:$0x1FEA0] =	vst v63  }
0x1a: {  	_ =	swait.ge [sflag:s14], $0x186A0  }
0x1b: {  	[sflag:s14] =	ssyncset.done $0x0  }
0x1c: {  	s23 =	simm.s32 $0x0;
	[sflag:s14] =	ssyncadd.s32 $0xFFFE7960  }
.LBB2_10:
0x1d: {  	s23 =	sadd.s32 $0x1, s23  }
0x1e: {  	p0 =	sne.s32 s23, $0x4F  }
.Ltmp3:
0x1f: {  	_ = 	snop;
	(pc) =	sbr.rel @!p0 .LBB2_11-.Ltmp3, $1  }
0x20: {  	_ =	sdelay $0x3  }
.LBB2_2:
0x21: {  	s25 =	sshll.u32 s23, $0x6  }
0x22: {  	s26 =	sor.u32 s6, s25  }
0x23: {  	s24 =	sor.u32 $0x20, s26  }
0x24: {  	p0 =	sgt.u32 s24, $0x1387  }
0x25: {  	p1 =	sgt.u32 s26, $0x1387;
	s0 =	smul.u32 @!p0 $0x140, s24  }
.Ltmp4:
0x26: {  	s1 =	simm.s32 @!p0 $0x0;
	(pc) =	sbr.rel @p1 .LBB2_6-.Ltmp4, $4  }
0x27: {  	s3 =	simm.s32 @!p0 $0x190A0;
	s12 =	smul.u32 @!p0 $0x280, s24;
	s0 =	sadd.s32 @!p0 s4, s0  }
0x28: {  	[tilespmem:s3], [sflag:$0x2] =	stream.linear.gather @!p0 [hbm4b:s0+s1], $0xA00, $0x38;
	[tilespmem:$0x1FEA0] =	vst v63  }
0x29: {  	s0 =	sadd.s32 @!p0 s2, s12;
	s3 =	simm.s32 @!p0 $0x1AEA0  }
0x2a: {  	[tilespmem:s3], [sflag:$0x2] =	stream.linear.gather @!p0 [hbm4b:s0+s1], $0x1400, $0x38;
	[tilespmem:$0x1FEA0] =	vst v63  }
0x2b: {  	_ =	swait.ge [sflag:s15], $0xA00  }
0x2c: {  	[sflag:s15] =	ssyncset.done $0x0  }
0x2d: {  	[sflag:s15] =	ssyncadd.s32 $0xFFFFF600  }
0x2e: {  	_ =	swait.ge [sflag:s15], $0x1400  }
0x2f: {  	p1 =	seq.s32 s23, $0x0;
	[sflag:s15] =	ssyncset.done $0x0  }
0x30: {  	s0 =	simm.s32 @!p1 $0x3;
	[sflag:s15] =	ssyncadd.s32 $0xFFFFEC00  }
0x31: {  	_ =	swait.ge @!p1 [sflag:s0], $0x1E00  }
0x32: {  	[sflag:s0] =	ssyncset.done @!p1 $0x0  }
0x33: {  	s12 =	simm.s32 $0x19BA0;
	[sflag:s0] =	ssyncadd.s32 @!p1 $0xFFFFE200  }
0x34: {  	v0 =	vld [tilespmem:s12+$0xFFFFFF70];
	_ =	sdelay $0x2  }
0x35: {  	v1 =	vld [tilespmem:s12+$0xFFFFFF10]  }
0x36: {  	s28 =	simm.s32 $0x1C420;
	v2 =	vld [tilespmem:s12+$0xFFFFFF20]  }
0x37: {  	v3 =	vld [tilespmem:s12+$0xFFFFFF30];
	[tilespmem:s28+$0xFFFFFEF0] =	vst v0  }
0x38: {  	v0 =	vld [tilespmem:s12+$0xFFFFFFF0]  }
0x39: {  	v4 =	vld [tilespmem:s12+$0xFFFFFF40]  }
0x3a: {  	[tilespmem:s28+$0xFFFFFE90] =	vst v1;
	v1 =	vld [tilespmem:s12+$0xFFFFFF00]  }
0x3b: {  	[tilespmem:s28+$0xFFFFFEA0] =	vst v2;
	v2 =	vld [tilespmem:s12+$0xFFFFFF90]  }
0x3c: {  	v5 =	vld [tilespmem:s12+$0xFFFFFF50]  }
0x3d: {  	v6 =	vld [tilespmem:s12+$0xFFFFFF60];
	[tilespmem:s28+$0xFFFFFEB0] =	vst v3;
	v0 =	vmul.f32 $1.591549370e-01, v0  }
0x3e: {  	[tilespmem:s28+$0xFFFFFEC0] =	vst v4;
	v3 =	vld [tilespmem:s12+$0xFFFFFFA0]  }
0x3f: {  	v4 =	vld [tilespmem:s12+$0xFFFFFFB0];
	[tilespmem:s28+$0xFFFFFE80] =	vst v1;
	v7 =	vadd.f32 $1.258291200e+07, v0  }
0x40: {  	v1 =	vmul.f32 $1.591549370e-01, v2;
	v2 =	vld [tilespmem:s12+$0xFFFFFF80]  }
0x41: {  	[tilespmem:s28+$0xFFFFFED0] =	vst v5;
	v5 =	vld [tilespmem:s12+$0xFFFFFFC0];
	v7 =	vadd.f32 $-1.258291200e+07, v7;
	_ =	sdelay $0x1  }
0x42: {  	v8 =	vld [tilespmem:s12+$0xFFFFFFD0];
	v0 =	vsub.f32 v0, v7  }
0x43: {  	v3 =	vmul.f32 $1.591549370e-01, v3  }
0x44: {  	v2 =	vmul.f32 $1.591549370e-01, v2;
	v0 =	vmul.f32 v0, v0  }
0x45: {  	[tilespmem:s28+$0xFFFFFEE0] =	vst v6;
	v4 =	vmul.f32 $1.591549370e-01, v4;
	v5 =	vmul.f32 $1.591549370e-01, v5;
	v6 =	vadd.f32 $1.258291200e+07, v1  }
0x46: {  	v9 =	vadd.f32 $1.258291200e+07, v3;
	v14 =	vadd.f32 $1.258291200e+07, v2;
	v10 =	vmul.f32 $5.958028030e+01, v0  }
0x47: {  	v8 =	vmul.f32 $1.591549370e-01, v8;
	v11 =	vadd.f32 $1.258291200e+07, v4;
	v12 =	vadd.f32 $1.258291200e+07, v5  }
0x48: {  	v7 =	vld [tilespmem:s12+$0xFFFFFFE0];
	v14 =	vadd.f32 $-1.258291200e+07, v14;
	v10 =	vsub.f32 $6.110729600e+01, v10  }
0x49: {  	v13 =	vadd.f32 $1.258291200e+07, v8;
	v6 =	vadd.f32 $-1.258291200e+07, v6  }
0x4a: {  	v9 =	vadd.f32 $-1.258291200e+07, v9;
	v2 =	vsub.f32 v2, v14;
	v10 =	vmul.f32 v10, v0  }
0x4b: {  	v11 =	vadd.f32 $-1.258291200e+07, v11;
	v1 =	vsub.f32 v1, v6  }
0x4c: {  	v6 =	vadd.f32 $-1.258291200e+07, v13;
	v2 =	vmul.f32 v2, v2;
	v10 =	vadd.f32 $-1.955273440e+01, v10  }
0x4d: {  	v12 =	vadd.f32 $-1.258291200e+07, v12;
	v4 =	vsub.f32 v4, v11;
	v7 =	vmul.f32 $1.591549370e-01, v7  }
0x4e: {  	v6 =	vsub.f32 v8, v6;
	v8 =	vmul.f32 $5.958028030e+01, v2;
	v0 =	vmul.f32 v10, v0  }
0x4f: {  	v3 =	vsub.f32 v3, v9;
	v1 =	vmul.f32 v1, v1;
	v15 =	vadd.f32 $1.258291200e+07, v7  }
0x50: {  	v4 =	vmul.f32 v4, v4;
	v8 =	vsub.f32 $6.110729600e+01, v8;
	v0 =	vadd.f32 $9.985668060e-01, v0  }
0x51: {  	v5 =	vsub.f32 v5, v12;
	v3 =	vmul.f32 v3, v3;
	v6 =	vmul.f32 v6, v6  }
0x52: {  	v11 =	vmul.f32 $5.958028030e+01, v4;
	v10 =	vadd.f32 $-1.258291200e+07, v15;
	v8 =	vmul.f32 v8, v2;
	[tilespmem:s28+$0xFFFFFF70] =	vst v0  }
0x53: {  	v0 =	vmul.f32 v5, v5;
	v5 =	vmul.f32 $5.958028030e+01, v1;
	v9 =	vld [tilespmem:s12+$0x70]  }
0x54: {  	v13 =	vmul.f32 $5.958028030e+01, v6;
	v7 =	vsub.f32 v7, v10;
	v8 =	vadd.f32 $-1.955273440e+01, v8  }
0x55: {  	v11 =	vsub.f32 $6.110729600e+01, v11;
	v10 =	vmul.f32 $5.958028030e+01, v3;
	v5 =	vsub.f32 $6.110729600e+01, v5  }
0x56: {  	v13 =	vsub.f32 $6.110729600e+01, v13;
	v7 =	vmul.f32 v7, v7;
	v2 =	vmul.f32 v8, v2  }
0x57: {  	v10 =	vsub.f32 $6.110729600e+01, v10;
	v12 =	vmul.f32 $5.958028030e+01, v0;
	v5 =	vmul.f32 v5, v1  }
0x58: {  	v14 =	vmul.f32 $5.958028030e+01, v7;
	v2 =	vadd.f32 $9.985668060e-01, v2;
	v9 =	vmul.f32 $1.591549370e-01, v9  }
0x59: {  	v10 =	vmul.f32 v10, v3;
	v12 =	vsub.f32 $6.110729600e+01, v12;
	v5 =	vadd.f32 $-1.955273440e+01, v5  }
0x5a: {  	v8 =	vsub.f32 $6.110729600e+01, v14;
	v15 =	vadd.f32 $1.258291200e+07, v9  }
0x5b: {  	v10 =	vadd.f32 $-1.955273440e+01, v10;
	v12 =	vmul.f32 v12, v0;
	v1 =	vmul.f32 v5, v1  }
0x5c: {  	[tilespmem:s28+$0xFFFFFF00] =	vst v2;
	v2 =	vmul.f32 v8, v7;
	v5 =	vmul.f32 v11, v4;
	v11 =	vadd.f32 $-1.258291200e+07, v15  }
0x5d: {  	v3 =	vmul.f32 v10, v3;
	v8 =	vadd.f32 $-1.955273440e+01, v12;
	v1 =	vadd.f32 $9.985668060e-01, v1  }
0x5e: {  	v10 =	vld [tilespmem:s12+$0x0];
	v5 =	vadd.f32 $-1.955273440e+01, v5;
	v9 =	vsub.f32 v9, v11  }
0x5f: {  	v13 =	vmul.f32 v13, v6;
	v3 =	vadd.f32 $9.985668060e-01, v3;
	v0 =	vmul.f32 v8, v0;
	[tilespmem:s28+$0xFFFFFF10] =	vst v1  }
0x60: {  	v2 =	vadd.f32 $-1.955273440e+01, v2;
	v1 =	vmul.f32 v5, v4;
	v5 =	vld [tilespmem:s12+$0x10];
	v4 =	vmul.f32 v9, v9  }
0x61: {  	s29 =	simm.s32 $0x19DA0;
	v0 =	vadd.f32 $9.985668060e-01, v0;
	v9 =	vadd.f32 $-1.955273440e+01, v13  }
0x62: {  	v17 =	vld [tilespmem:s29+$0xFFFFFF30];
	[tilespmem:s28+$0xFFFFFF20] =	vst v3;
	v2 =	vmul.f32 v2, v7;
	v1 =	vadd.f32 $9.985668060e-01, v1;
	v8 =	vmul.f32 $5.958028030e+01, v4  }
0x63: {  	v20 =	vld [tilespmem:s29+$0xFFFFFF50];
	v7 =	vmul.f32 $1.591549370e-01, v10;
	[tilespmem:s28+$0xFFFFFF40] =	vst v0;
	v6 =	vmul.f32 v9, v6  }
0x64: {  	v3 =	vld [tilespmem:s12+$0x20];
	v2 =	vadd.f32 $9.985668060e-01, v2;
	[tilespmem:s28+$0xFFFFFF30] =	vst v1;
	v1 =	vsub.f32 $6.110729600e+01, v8  }
0x65: {  	v9 =	vadd.f32 $1.258291200e+07, v7;
	v6 =	vadd.f32 $9.985668060e-01, v6;
	v8 =	vld [tilespmem:s12+$0x30];
	v0 =	vmul.f32 $1.591549370e-01, v5  }
0x66: {  	[tilespmem:s28+$0xFFFFFF60] =	vst v2;
	v5 =	vld [tilespmem:s12+$0x40];
	v1 =	vmul.f32 v1, v4  }
0x67: {  	v2 =	vadd.f32 $-1.258291200e+07, v9;
	v9 =	vld [tilespmem:s12+$0x60];
	[tilespmem:s28+$0xFFFFFF50] =	vst v6;
	v6 =	vadd.f32 $1.258291200e+07, v0  }
0x68: {  	v1 =	vadd.f32 $-1.955273440e+01, v1  }
0x69: {  	v2 =	vsub.f32 v7, v2;
	v10 =	vld [tilespmem:s12+$0x50];
	v6 =	vadd.f32 $-1.258291200e+07, v6  }
0x6a: {  	s30 =	simm.s32 $0x1C720;
	v3 =	vmul.f32 $1.591549370e-01, v3;
	v1 =	vmul.f32 v1, v4  }
0x6b: {  	[tilespmem:s30+$0xFFFFFED0] =	vst v20;
	v2 =	vmul.f32 v2, v2;
	v8 =	vmul.f32 $1.591549370e-01, v8;
	v0 =	vsub.f32 v0, v6  }
0x6c: {  	[tilespmem:s30+$0xFFFFFEB0] =	vst v17;
	v17 =	vld [tilespmem:s29+$0xFFFFFFD0];
	v5 =	vmul.f32 $1.591549370e-01, v5;
	v9 =	vmul.f32 $1.591549370e-01, v9;
	v1 =	vadd.f32 $9.985668060e-01, v1  }
0x6d: {  	v4 =	vadd.f32 $1.258291200e+07, v3;
	v6 =	vadd.f32 $1.258291200e+07, v8;
	v0 =	vmul.f32 v0, v0  }
0x6e: {  	v14 =	vadd.f32 $1.258291200e+07, v9;
	v7 =	vmul.f32 $1.591549370e-01, v10;
	[tilespmem:s28+$0xFFFFFFF0] =	vst v1;
	v1 =	vmul.f32 $5.958028030e+01, v2  }
0x6f: {  	v10 =	vadd.f32 $1.258291200e+07, v5;
	v4 =	vadd.f32 $-1.258291200e+07, v4;
	v13 =	vmul.f32 $5.958028030e+01, v0;
	v12 =	vld [tilespmem:s12+$0xF0]  }
0x70: {  	v6 =	vadd.f32 $-1.258291200e+07, v6;
	v1 =	vsub.f32 $6.110729600e+01, v1  }
0x71: {  	v17 =	vmul.f32 $1.591549370e-01, v17;
	v14 =	vadd.f32 $-1.258291200e+07, v14;
	v13 =	vsub.f32 $6.110729600e+01, v13  }
0x72: {  	v11 =	vadd.f32 $1.258291200e+07, v7;
	v10 =	vadd.f32 $-1.258291200e+07, v10;
	v1 =	vmul.f32 v1, v2  }
0x73: {  	v3 =	vsub.f32 v3, v4;
	v4 =	vsub.f32 v8, v6;
	v6 =	vmul.f32 v13, v0  }
0x74: {  	v11 =	vadd.f32 $-1.258291200e+07, v11;
	v8 =	vmul.f32 $1.591549370e-01, v12;
	v1 =	vadd.f32 $-1.955273440e+01, v1  }
0x75: {  	v5 =	vsub.f32 v5, v10;
	v3 =	vmul.f32 v3, v3;
	v6 =	vadd.f32 $-1.955273440e+01, v6  }
0x76: {  	v4 =	vmul.f32 v4, v4;
	v10 =	vadd.f32 $1.258291200e+07, v8;
	v1 =	vmul.f32 v1, v2  }
0x77: {  	v7 =	vsub.f32 v7, v11;
	v2 =	vsub.f32 v9, v14;
	v0 =	vmul.f32 v6, v0  }
0x78: {  	v5 =	vmul.f32 v5, v5;
	v6 =	vadd.f32 $-1.258291200e+07, v10;
	v1 =	vadd.f32 $9.985668060e-01, v1  }
0x79: {  	v7 =	vmul.f32 v7, v7;
	v9 =	vmul.f32 $5.958028030e+01, v3;
	v0 =	vadd.f32 $9.985668060e-01, v0  }
0x7a: {  	v2 =	vmul.f32 v2, v2;
	v10 =	vmul.f32 $5.958028030e+01, v4;
	v6 =	vsub.f32 v8, v6;
	[tilespmem:s28+$0xFFFFFF80] =	vst v1  }
0x7b: {  	v13 =	vld [tilespmem:s29+$0xFFFFFF70];
	v1 =	vmul.f32 $5.958028030e+01, v5;
	v8 =	vmul.f32 $5.958028030e+01, v7;
	[tilespmem:s28+$0xFFFFFF90] =	vst v0;
	v0 =	vsub.f32 $6.110729600e+01, v9  }
0x7c: {  	v12 =	vmul.f32 $5.958028030e+01, v2;
	v10 =	vsub.f32 $6.110729600e+01, v10;
	v11 =	vld [tilespmem:s12+$0x80];
	v6 =	vmul.f32 v6, v6  }
0x7d: {  	v9 =	vld [tilespmem:s12+$0x90];
	v1 =	vsub.f32 $6.110729600e+01, v1;
	v8 =	vsub.f32 $6.110729600e+01, v8;
	v0 =	vmul.f32 v0, v3  }
0x7e: {  	v15 =	vld [tilespmem:s29+$0xFFFFFF10];
	v12 =	vsub.f32 $6.110729600e+01, v12;
	v10 =	vmul.f32 v10, v4;
	v14 =	vmul.f32 $5.958028030e+01, v6  }
0x7f: {  	v18 =	vld [tilespmem:s29+$0xFFFFFF40];
	v36 =	vadd.f32 $1.258291200e+07, v17;
	v1 =	vmul.f32 v1, v5;
	v8 =	vmul.f32 v8, v7  }
0x80: {  	v16 =	vld [tilespmem:s29+$0xFFFFFF20];
	[tilespmem:s30+$0xFFFFFEF0] =	vst v13;
	v0 =	vadd.f32 $-1.955273440e+01, v0;
	v12 =	vmul.f32 v12, v2;
	v10 =	vadd.f32 $-1.955273440e+01, v10  }
0x81: {  	v14 =	vsub.f32 $6.110729600e+01, v14;
	v11 =	vmul.f32 $1.591549370e-01, v11;
	v1 =	vadd.f32 $-1.955273440e+01, v1  }
0x82: {  	v19 =	vld [tilespmem:s29+$0xFFFFFFF0];
	v9 =	vmul.f32 $1.591549370e-01, v9;
	v8 =	vadd.f32 $-1.955273440e+01, v8;
	v12 =	vadd.f32 $-1.955273440e+01, v12  }
0x83: {  	[tilespmem:s30+$0xFFFFFE90] =	vst v15;
	v4 =	vmul.f32 v10, v4;
	v10 =	vld [tilespmem:s29+$0xFFFFFF00];
	v13 =	vmul.f32 v14, v6;
	v14 =	vadd.f32 $1.258291200e+07, v11  }
0x84: {  	[tilespmem:s30+$0xFFFFFEC0] =	vst v18;
	v0 =	vmul.f32 v0, v3;
	v21 =	vadd.f32 $1.258291200e+07, v9;
	v7 =	vmul.f32 v8, v7;
	v8 =	vld [tilespmem:s29+$0xFFFFFF90]  }
0x85: {  	v2 =	vmul.f32 v12, v2;
	v12 =	vld [tilespmem:s29+$0xFFFFFFC0];
	v3 =	vadd.f32 $-1.955273440e+01, v13;
	v13 =	vadd.f32 $-1.258291200e+07, v14  }
0x86: {  	v5 =	vmul.f32 v1, v5;
	v4 =	vadd.f32 $9.985668060e-01, v4;
	v1 =	vadd.f32 $-1.258291200e+07, v21  }
0x87: {  	[tilespmem:s30+$0xFFFFFEA0] =	vst v16;
	v14 =	vld [tilespmem:s29+$0xFFFFFF60];
	v3 =	vmul.f32 v3, v6;
	v6 =	vsub.f32 v11, v13;
	v13 =	vmul.f32 $1.591549370e-01, v19  }
0x88: {  	v11 =	vadd.f32 $9.985668060e-01, v0;
	v0 =	vsub.f32 v9, v1;
	v9 =	vld [tilespmem:s29+$0xFFFFFFA0]  }
0x89: {  	v7 =	vadd.f32 $9.985668060e-01, v7;
	[tilespmem:s28+$0xFFFFFFB0] =	vst v4;
	v1 =	vmul.f32 v6, v6;
	v6 =	vld [tilespmem:s29+$0xFFFFFFB0];
	v15 =	vadd.f32 $1.258291200e+07, v13  }
0x8a: {  	v5 =	vadd.f32 $9.985668060e-01, v5;
	[tilespmem:s30+$0xFFFFFE80] =	vst v10;
	v8 =	vmul.f32 $1.591549370e-01, v8;
	v12 =	vmul.f32 $1.591549370e-01, v12  }
0x8b: {  	v19 =	vld [tilespmem:s12+$0xB0];
	[tilespmem:s28+$0xFFFFFFD0] =	vst v7;
	v0 =	vmul.f32 v0, v0;
	v16 =	vmul.f32 $5.958028030e+01, v1;
	v10 =	vadd.f32 $-1.258291200e+07, v15  }
0x8c: {  	[tilespmem:s30+$0xFFFFFEE0] =	vst v14;
	v4 =	vadd.f32 $1.258291200e+07, v8;
	v7 =	vadd.f32 $1.258291200e+07, v12;
	v15 =	vld [tilespmem:s29+$0xFFFFFF80]  }
0x8d: {  	[tilespmem:s28+$0xFFFFFFC0] =	vst v5;
	v18 =	vmul.f32 $5.958028030e+01, v0;
	v14 =	vsub.f32 $6.110729600e+01, v16;
	v16 =	vld [tilespmem:s29+$0xFFFFFFE0];
	v10 =	vsub.f32 v13, v10  }
0x8e: {  	v21 =	vadd.f32 $-1.258291200e+07, v36;
	v35 =	vld [tilespmem:s12+$0xC0];
	v9 =	vmul.f32 $1.591549370e-01, v9;
	v6 =	vmul.f32 $1.591549370e-01, v6  }
0x8f: {  	v4 =	vadd.f32 $-1.258291200e+07, v4;
	v7 =	vadd.f32 $-1.258291200e+07, v7;
	v10 =	vmul.f32 v10, v10  }
0x90: {  	v19 =	vmul.f32 $1.591549370e-01, v19;
	v13 =	vadd.f32 $1.258291200e+07, v9;
	v5 =	vadd.f32 $1.258291200e+07, v6  }
0x91: {  	v4 =	vsub.f32 v8, v4;
	v15 =	vmul.f32 $1.591549370e-01, v15;
	v22 =	vmul.f32 $5.958028030e+01, v10  }
0x92: {  	v13 =	vadd.f32 $-1.258291200e+07, v13;
	v5 =	vadd.f32 $-1.258291200e+07, v5;
	v16 =	vmul.f32 $1.591549370e-01, v16  }
0x93: {  	v20 =	vmul.f32 $1.591549370e-01, v35;
	v24 =	vadd.f32 $1.258291200e+07, v15;
	v22 =	vsub.f32 $6.110729600e+01, v22  }
0x94: {  	v4 =	vmul.f32 v4, v4;
	v9 =	vsub.f32 v9, v13;
	v25 =	vadd.f32 $1.258291200e+07, v16  }
0x95: {  	v24 =	vadd.f32 $-1.258291200e+07, v24;
	v5 =	vsub.f32 v6, v5;
	v22 =	vmul.f32 v22, v10  }
0x96: {  	v6 =	vsub.f32 v12, v7;
	v7 =	vsub.f32 v17, v21;
	v9 =	vmul.f32 v9, v9  }
0x97: {  	v8 =	vadd.f32 $-1.258291200e+07, v25;
	v5 =	vmul.f32 v5, v5;
	v22 =	vadd.f32 $-1.955273440e+01, v22  }
0x98: {  	v15 =	vsub.f32 v15, v24;
	v6 =	vmul.f32 v6, v6;
	v7 =	vmul.f32 v7, v7  }
0x99: {  	v2 =	vadd.f32 $9.985668060e-01, v2;
	v17 =	vmul.f32 $5.958028030e+01, v9;
	v10 =	vmul.f32 v22, v10  }
0x9a: {  	v12 =	vmul.f32 v15, v15;
	v8 =	vsub.f32 v16, v8;
	v16 =	vmul.f32 $5.958028030e+01, v4  }
0x9b: {  	v37 =	vmul.f32 $5.958028030e+01, v5;
	v40 =	vmul.f32 $5.958028030e+01, v6;
	v10 =	vadd.f32 $9.985668060e-01, v10  }
0x9c: {  	[tilespmem:s28+$0xFFFFFFA0] =	vst v11;
	v11 =	vsub.f32 $6.110729600e+01, v18;
	v8 =	vmul.f32 v8, v8;
	v15 =	vmul.f32 $5.958028030e+01, v12  }
0x9d: {  	v26 =	vmul.f32 $5.958028030e+01, v7;
	v17 =	vsub.f32 $6.110729600e+01, v17;
	v16 =	vsub.f32 $6.110729600e+01, v16;
	[tilespmem:s30+$0xFFFFFF70] =	vst v10  }
0x9e: {  	v21 =	vsub.f32 $6.110729600e+01, v37;
	v15 =	vsub.f32 $6.110729600e+01, v15;
	v27 =	vmul.f32 $5.958028030e+01, v8;
	v38 =	vld [tilespmem:s29+$0x70]  }
0x9f: {  	v25 =	vsub.f32 $6.110729600e+01, v40;
	v26 =	vsub.f32 $6.110729600e+01, v26;
	v16 =	vmul.f32 v16, v4  }
0xa0: {  	v18 =	vld [tilespmem:s12+$0xA0];
	v17 =	vmul.f32 v17, v9;
	v15 =	vmul.f32 v15, v12;
	v27 =	vsub.f32 $6.110729600e+01, v27  }
0xa1: {  	v21 =	vmul.f32 v21, v5;
	v25 =	vmul.f32 v25, v6;
	v16 =	vadd.f32 $-1.955273440e+01, v16  }
0xa2: {  	v26 =	vmul.f32 v26, v7;
	v15 =	vadd.f32 $-1.955273440e+01, v15;
	v27 =	vmul.f32 v27, v8  }
0xa3: {  	v4 =	vmul.f32 v16, v4;
	v16 =	vadd.f32 $-1.955273440e+01, v25;
	v22 =	vmul.f32 $1.591549370e-01, v38  }
0xa4: {  	[tilespmem:s28+$0xFFFFFFE0] =	vst v2;
	v2 =	vmul.f32 v15, v12;
	v12 =	vadd.f32 $-1.955273440e+01, v17;
	v15 =	vadd.f32 $-1.955273440e+01, v21  }
0xa5: {  	v23 =	vld [tilespmem:s12+$0xD0];
	v18 =	vmul.f32 $1.591549370e-01, v18;
	v42 =	vadd.f32 $-1.955273440e+01, v27;
	v28 =	vadd.f32 $1.258291200e+07, v22  }
0xa6: {  	v4 =	vadd.f32 $9.985668060e-01, v4;
	v9 =	vmul.f32 v12, v9;
	v12 =	vadd.f32 $-1.955273440e+01, v26  }
0xa7: {  	v5 =	vmul.f32 v15, v5;
	v2 =	vadd.f32 $9.985668060e-01, v2;
	v41 =	vadd.f32 $-1.258291200e+07, v28  }
0xa8: {  	v39 =	vadd.f32 $1.258291200e+07, v20;
	v6 =	vmul.f32 v16, v6;
	v8 =	vmul.f32 v42, v8;
	[tilespmem:s30+$0xFFFFFF10] =	vst v4  }
0xa9: {  	v16 =	vld [tilespmem:s29+$0x10];
	v7 =	vmul.f32 v12, v7;
	[tilespmem:s30+$0xFFFFFF00] =	vst v2;
	v2 =	vadd.f32 $9.985668060e-01, v5;
	v15 =	vsub.f32 v22, v41  }
0xaa: {  	v23 =	vmul.f32 $1.591549370e-01, v23;
	v13 =	vadd.f32 $1.258291200e+07, v18;
	v5 =	vadd.f32 $9.985668060e-01, v6  }
0xab: {  	v17 =	vld [tilespmem:s12+$0xE0];
	v4 =	vadd.f32 $9.985668060e-01, v7;
	v7 =	vadd.f32 $9.985668060e-01, v8;
	[tilespmem:s30+$0xFFFFFF30] =	vst v2;
	v12 =	vmul.f32 v15, v15  }
0xac: {  	v13 =	vadd.f32 $-1.258291200e+07, v13;
	v10 =	vadd.f32 $1.258291200e+07, v19;
	v2 =	vmul.f32 v11, v0;
	[tilespmem:s30+$0xFFFFFF40] =	vst v5;
	v11 =	vld [tilespmem:s29+$0x30]  }
0xad: {  	v3 =	vadd.f32 $9.985668060e-01, v3;
	v9 =	vadd.f32 $9.985668060e-01, v9;
	v44 =	vld [tilespmem:s29+$0x40];
	[tilespmem:s30+$0xFFFFFF60] =	vst v7;
	v8 =	vmul.f32 $5.958028030e+01, v12  }
0xae: {  	v5 =	vadd.f32 $-1.258291200e+07, v10;
	v7 =	vsub.f32 v18, v13;
	v13 =	vmul.f32 $1.591549370e-01, v16;
	v16 =	vld [tilespmem:s29+$0x60]  }
0xaf: {  	v6 =	vld [tilespmem:s29+$0x0];
	v10 =	vadd.f32 $-1.258291200e+07, v39;
	v8 =	vsub.f32 $6.110729600e+01, v8  }
0xb0: {  	[tilespmem:s30+$0xFFFFFF20] =	vst v9;
	v9 =	vadd.f32 $1.258291200e+07, v23;
	v5 =	vsub.f32 v19, v5;
	v15 =	vmul.f32 $1.591549370e-01, v17  }
0xb1: {  	v43 =	vld [tilespmem:s29+$0x20];
	[tilespmem:s30+$0xFFFFFF50] =	vst v4;
	v10 =	vsub.f32 v20, v10;
	v45 =	vadd.f32 $1.258291200e+07, v13;
	v4 =	vmul.f32 v8, v12  }
0xb2: {  	v17 =	vadd.f32 $1.258291200e+07, v15;
	v11 =	vmul.f32 $1.591549370e-01, v11;
	v46 =	vmul.f32 $1.591549370e-01, v44  }
0xb3: {  	v20 =	vadd.f32 $-1.258291200e+07, v45;
	v16 =	vmul.f32 $1.591549370e-01, v16;
	v4 =	vadd.f32 $-1.955273440e+01, v4  }
0xb4: {  	v8 =	vadd.f32 $-1.258291200e+07, v9;
	v9 =	vadd.f32 $-1.258291200e+07, v17;
	v17 =	vmul.f32 $1.591549370e-01, v6;
	v6 =	vld [tilespmem:s29+$0x50]  }
0xb5: {  	[tilespmem:s28+$0x70] =	vst v3;
	v3 =	vadd.f32 $1.258291200e+07, v11;
	v49 =	vadd.f32 $1.258291200e+07, v46;
	v4 =	vmul.f32 v4, v12  }
0xb6: {  	v19 =	vmul.f32 $1.591549370e-01, v43;
	v51 =	vadd.f32 $1.258291200e+07, v16;
	v18 =	vadd.f32 $1.258291200e+07, v17  }
0xb7: {  	s0 =	simm.s32 $0x18720;
	v24 =	vadd.f32 $-1.258291200e+07, v49;
	v4 =	vadd.f32 $9.985668060e-01, v4  }
0xb8: {  	v48 =	vld [tilespmem:s0+$0xFFFFFFF0];
	v14 =	vmul.f32 v14, v1;
	v12 =	vadd.f32 $-1.258291200e+07, v18;
	v18 =	vadd.f32 $1.258291200e+07, v19  }
0xb9: {  	v8 =	vsub.f32 v23, v8;
	v9 =	vsub.f32 v15, v9;
	v47 =	vmul.f32 $1.591549370e-01, v6;
	[tilespmem:s30+$0xFFFFFFF0] =	vst v4  }
0xba: {  	v6 =	vmul.f32 v7, v7;
	v7 =	vadd.f32 $-1.258291200e+07, v3;
	v18 =	vadd.f32 $-1.258291200e+07, v18;
	v52 =	vld [tilespmem:s29+$0xF0]  }
0xbb: {  	v3 =	vmul.f32 v10, v10;
	v10 =	vsub.f32 v17, v12;
	v12 =	vadd.f32 $-1.258291200e+07, v51  }
0xbc: {  	v50 =	vadd.f32 $1.258291200e+07, v47;
	v17 =	vmul.f32 $5.958028030e+01, v6;
	v7 =	vsub.f32 v11, v7  }
0xbd: {  	v11 =	vsub.f32 v46, v24;
	v4 =	vmul.f32 v5, v5;
	v5 =	vmul.f32 v8, v8  }
0xbe: {  	v8 =	vsub.f32 v13, v20;
	v13 =	vsub.f32 v19, v18;
	v10 =	vmul.f32 v10, v10  }
0xbf: {  	v12 =	vsub.f32 v16, v12;
	v25 =	vadd.f32 $-1.258291200e+07, v50;
	v19 =	vmul.f32 $1.591549370e-01, v52  }
0xc0: {  	v53 =	vld.idx.msk [tilespmem:v48+s7+$0x0], $0xffff;
	v7 =	vmul.f32 v7, v7;
	v11 =	vmul.f32 v11, v11;
	v17 =	vsub.f32 $6.110729600e+01, v17  }
0xc1: {  	v8 =	vmul.f32 v8, v8;
	v13 =	vmul.f32 v13, v13;
	v16 =	vadd.f32 $1.258291200e+07, v19  }
0xc2: {  	v12 =	vmul.f32 v12, v12;
	v15 =	vmul.f32 $5.958028030e+01, v10;
	v18 =	vsub.f32 v47, v25  }
0xc3: {  	v56 =	vmul.f32 $5.958028030e+01, v7;
	v57 =	vmul.f32 $5.958028030e+01, v11;
	v16 =	vadd.f32 $-1.258291200e+07, v16  }
0xc4: {  	v54 =	vmul.f32 $5.958028030e+01, v8;
	v55 =	vmul.f32 $5.958028030e+01, v13;
	v15 =	vsub.f32 $6.110729600e+01, v15  }
0xc5: {  	[tilespmem:s28+$0xF0] =	vst v53;
	v59 =	vmul.f32 $5.958028030e+01, v12;
	v18 =	vmul.f32 v18, v18;
	v16 =	vsub.f32 v19, v16  }
0xc6: {  	v23 =	vsub.f32 $6.110729600e+01, v56;
	v24 =	vsub.f32 $6.110729600e+01, v57;
	v15 =	vmul.f32 v15, v10;
	v19 =	vld [tilespmem:s0+$0x70]  }
0xc7: {  	v21 =	vsub.f32 $6.110729600e+01, v54;
	v58 =	vmul.f32 $5.958028030e+01, v18;
	v16 =	vmul.f32 v16, v16  }
0xc8: {  	v22 =	vsub.f32 $6.110729600e+01, v55;
	v23 =	vmul.f32 v23, v7;
	v24 =	vmul.f32 v24, v11  }
0xc9: {  	v25 =	vsub.f32 $6.110729600e+01, v59;
	v21 =	vmul.f32 v21, v8;
	v60 =	vmul.f32 $5.958028030e+01, v16  }
0xca: {  	v22 =	vmul.f32 v22, v13;
	v15 =	vadd.f32 $-1.955273440e+01, v15;
	v20 =	vsub.f32 $6.110729600e+01, v58  }
0xcb: {  	v25 =	vmul.f32 v25, v12;
	v23 =	vadd.f32 $-1.955273440e+01, v23;
	v26 =	vsub.f32 $6.110729600e+01, v60  }
0xcc: {  	v24 =	vadd.f32 $-1.955273440e+01, v24;
	v21 =	vadd.f32 $-1.955273440e+01, v21;
	v10 =	vmul.f32 v15, v10  }
0xcd: {  	v22 =	vadd.f32 $-1.955273440e+01, v22;
	v20 =	vmul.f32 v20, v18;
	v26 =	vmul.f32 v26, v16  }
0xce: {  	v61 =	vadd.f32 $-1.955273440e+01, v25;
	v7 =	vmul.f32 v23, v7;
	v8 =	vmul.f32 v21, v8;
	v15 =	vld.idx.msk [tilespmem:v19+s7+$0x0], $0xffff  }
0xcf: {  	v11 =	vmul.f32 v24, v11;
	v10 =	vadd.f32 $9.985668060e-01, v10;
	v62 =	vadd.f32 $-1.955273440e+01, v26  }
0xd0: {  	v13 =	vmul.f32 v22, v13;
	v63 =	vadd.f32 $9.985668060e-01, v8;
	v19 =	vadd.f32 $-1.955273440e+01, v20  }
0xd1: {  	v11 =	vadd.f32 $9.985668060e-01, v11;
	v8 =	vadd.f32 $-1.955273440e+01, v14;
	[tilespmem:s30+$0xFFFFFF80] =	vst v10;
	v14 =	vmul.f32 v62, v16  }
0xd2: {  	v10 =	vadd.f32 $9.985668060e-01, v13;
	[tilespmem:s30+$0xFFFFFF90] =	vst v63;
	v18 =	vmul.f32 v19, v18;
	v16 =	vmul.f32 v61, v12  }
0xd3: {  	s31 =	simm.s32 $0x1C720;
	v13 =	vadd.f32 $9.985668060e-01, v7;
	v7 =	vmul.f32 v9, v9;
	v12 =	vld [tilespmem:s29+$0x80];
	[tilespmem:s28+$0x170] =	vst v15;
	v15 =	vadd.f32 $9.985668060e-01, v14  }
0xd4: {  	s1 =	simm.s32 $0x8;
	s3 =	simm.s32 $0x18720;
	s12 =	simm.s32 $0x19FA0;
	[tilespmem:s30+$0xFFFFFFA0] =	vst v10;
	v10 =	vadd.f32 $9.985668060e-01, v18;
	v14 =	vld [tilespmem:s29+$0x90];
	v9 =	vadd.f32 $9.985668060e-01, v16;
	v16 =	vmul.f32 v17, v6  }
.LBB2_4:
0xd5: {  	v17 =	vld [tilespmem:s12+$0xFFFFFF70];
	[tilespmem:s30+$0x70] =	vst v15;
	v2 =	vadd.f32 $-1.955273440e+01, v2;
	v15 =	vmul.f32 $5.958028030e+01, v4;
	v18 =	vmul.f32 $5.958028030e+01, v3;
	s0 =	sadd.s32 $0x100, s0  }
0xd6: {  	s1 =	sadd.s32 $0x8, s1;
	v19 =	vmul.f32 $5.958028030e+01, v5;
	v20 =	vmul.f32 $5.958028030e+01, v7;
	[tilespmem:s30+$0xFFFFFFB0] =	vst v13;
	v13 =	vld [tilespmem:s0+$0xFFFFFFF0];
	v16 =	vadd.f32 $-1.955273440e+01, v16  }
0xd7: {  	v1 =	vmul.f32 v8, v1;
	p1 =	slt.u32 s1, $0x48;
	v21 =	vld [tilespmem:s12+$0xFFFFFF10];
	[tilespmem:s30+$0xFFFFFFC0] =	vst v11;
	v8 =	vsub.f32 $6.110729600e+01, v15;
	v11 =	vsub.f32 $6.110729600e+01, v18  }
0xd8: {  	v18 =	vsub.f32 $6.110729600e+01, v20;
	v15 =	vld [tilespmem:s12+$0xFFFFFF20];
	v12 =	vmul.f32 $1.591549370e-01, v12;
	[tilespmem:s30+$0xFFFFFFD0] =	vst v10;
	v10 =	vsub.f32 $6.110729600e+01, v19  }
0xd9: {  	v19 =	vld [tilespmem:s12+$0xFFFFFF30];
	v14 =	vmul.f32 $1.591549370e-01, v14;
	[tilespmem:s30+$0xFFFFFFE0] =	vst v9;
	v9 =	vadd.f32 $9.985668060e-01, v1;
	v1 =	vmul.f32 v8, v4  }
0xda: {  	s30 =	sadd.s32 $0x300, s30;
	v11 =	vmul.f32 v11, v3;
	v8 =	vld [tilespmem:s12+$0xFFFFFF40];
	v20 =	vadd.f32 $1.258291200e+07, v12;
	v10 =	vmul.f32 v10, v5  }
0xdb: {  	v18 =	vmul.f32 v18, v7;
	v22 =	vld [tilespmem:s12+$0xFFFFFF50];
	[tilespmem:s30+$0xFFFFFEF0] =	vst v17;
	v17 =	vadd.f32 $1.258291200e+07, v14;
	v1 =	vadd.f32 $-1.955273440e+01, v1  }
0xdc: {  	v0 =	vmul.f32 v2, v0;
	v2 =	vadd.f32 $-1.955273440e+01, v11;
	[tilespmem:s30+$0xFFFFFE90] =	vst v21;
	v21 =	vld [tilespmem:s12+$0xFFFFFFF0];
	v20 =	vadd.f32 $-1.258291200e+07, v20  }
0xdd: {  	v6 =	vmul.f32 v16, v6;
	v10 =	vadd.f32 $-1.955273440e+01, v10;
	[tilespmem:s30+$0xFFFFFEA0] =	vst v15;
	v11 =	vld [tilespmem:s12+$0xFFFFFF60];
	v15 =	vadd.f32 $-1.258291200e+07, v17  }
0xde: {  	v16 =	vadd.f32 $-1.955273440e+01, v18;
	v4 =	vmul.f32 v1, v4;
	[tilespmem:s30+$0xFFFFFEB0] =	vst v19;
	v12 =	vsub.f32 v12, v20;
	v13 =	vld.idx.msk [tilespmem:v13+s7+$0x0], $0xffff  }
0xdf: {  	v2 =	vmul.f32 v2, v3;
	v3 =	vmul.f32 v10, v5;
	v17 =	vld [tilespmem:s12+$0xFFFFFF00];
	[tilespmem:s30+$0xFFFFFEC0] =	vst v8;
	v8 =	vsub.f32 v14, v15  }
0xe0: {  	v7 =	vmul.f32 v16, v7;
	v10 =	vadd.f32 $9.985668060e-01, v0;
	v5 =	vld [tilespmem:s12+$0xFFFFFF90];
	[tilespmem:s30+$0xFFFFFED0] =	vst v22;
	v1 =	vmul.f32 v12, v12  }
0xe1: {  	v6 =	vadd.f32 $9.985668060e-01, v6;
	v12 =	vld [tilespmem:s12+$0xFFFFFFA0];
	v14 =	vmul.f32 $1.591549370e-01, v21;
	v0 =	vmul.f32 v8, v8;
	[tilespmem:s28+$0x0] =	vst v9  }
0xe2: {  	v4 =	vadd.f32 $9.985668060e-01, v4;
	v8 =	vld [tilespmem:s12+$0xFFFFFFB0];
	[tilespmem:s30+$0xFFFFFEE0] =	vst v11;
	v9 =	vmul.f32 $5.958028030e+01, v1;
	v11 =	vadd.f32 $9.985668060e-01, v2  }
0xe3: {  	v3 =	vadd.f32 $9.985668060e-01, v3;
	v2 =	vld [tilespmem:s12+$0xFFFFFFC0];
	v15 =	vadd.f32 $1.258291200e+07, v14;
	v16 =	vmul.f32 $5.958028030e+01, v0  }
0xe4: {  	v18 =	vld [tilespmem:s12+$0xFFFFFFD0];
	v9 =	vsub.f32 $6.110729600e+01, v9;
	[tilespmem:s31+$0xF0] =	vst v13;
	v13 =	vadd.f32 $9.985668060e-01, v7  }
0xe5: {  	[tilespmem:s30+$0xFFFFFE80] =	vst v17;
	v5 =	vmul.f32 $1.591549370e-01, v5;
	v15 =	vadd.f32 $-1.258291200e+07, v15;
	v17 =	vld [tilespmem:s0+$0x70]  }
0xe6: {  	v19 =	vld [tilespmem:s12+$0xFFFFFF80];
	v12 =	vmul.f32 $1.591549370e-01, v12;
	v7 =	vmul.f32 v9, v1;
	v9 =	vsub.f32 $6.110729600e+01, v16;
	[tilespmem:s28+$0x10] =	vst v10  }
0xe7: {  	v10 =	vadd.f32 $1.258291200e+07, v5;
	v16 =	vmul.f32 $1.591549370e-01, v8;
	v8 =	vld [tilespmem:s12+$0xFFFFFFE0];
	v14 =	vsub.f32 v14, v15;
	[tilespmem:s28+$0x20] =	vst v6  }
0xe8: {  	v6 =	vadd.f32 $1.258291200e+07, v12;
	v15 =	vmul.f32 $1.591549370e-01, v2;
	v2 =	vmul.f32 v9, v0;
	v9 =	vld [tilespmem:s29+$0xA0];
	[tilespmem:s28+$0x30] =	vst v4  }
0xe9: {  	v4 =	vadd.f32 $1.258291200e+07, v16;
	v18 =	vmul.f32 $1.591549370e-01, v18;
	v14 =	vmul.f32 v14, v14;
	v20 =	vld [tilespmem:s29+$0xB0];
	[tilespmem:s28+$0x40] =	vst v11  }
0xea: {  	v10 =	vadd.f32 $-1.258291200e+07, v10;
	v11 =	vadd.f32 $1.258291200e+07, v15;
	v21 =	vld [tilespmem:s29+$0xC0];
	[tilespmem:s28+$0x50] =	vst v3  }
0xeb: {  	v19 =	vmul.f32 $1.591549370e-01, v19;
	v22 =	vadd.f32 $1.258291200e+07, v18;
	v3 =	vmul.f32 $5.958028030e+01, v14;
	v23 =	vld [tilespmem:s29+$0xD0]  }
0xec: {  	v24 =	vadd.f32 $-1.258291200e+07, v6;
	v25 =	vadd.f32 $-1.258291200e+07, v4;
	v26 =	vmul.f32 $1.591549370e-01, v8;
	v8 =	vld [tilespmem:s29+$0xE0];
	[tilespmem:s28+$0x60] =	vst v13;
	s29 =	smov.u32 s12  }
0xed: {  	v6 =	vadd.f32 $1.258291200e+07, v19;
	v13 =	vsub.f32 $6.110729600e+01, v3;
	v3 =	vmul.f32 $1.591549370e-01, v9;
	v9 =	vld.idx.msk [tilespmem:v17+s7+$0x0], $0xffff  }
0xee: {  	v11 =	vadd.f32 $-1.258291200e+07, v11;
	v17 =	vadd.f32 $1.258291200e+07, v26;
	v4 =	vmul.f32 $1.591549370e-01, v20;
	v20 =	vld [tilespmem:s3+$0xFFFFFF80]  }
0xef: {  	v22 =	vadd.f32 $-1.258291200e+07, v22;
	v6 =	vadd.f32 $-1.258291200e+07, v6;
	v13 =	vmul.f32 v13, v14;
	v27 =	vld [tilespmem:s3+$0xFFFFFF90]  }
0xf0: {  	v10 =	vsub.f32 v5, v10;
	v5 =	vmul.f32 $1.591549370e-01, v21;
	v17 =	vadd.f32 $-1.258291200e+07, v17;
	v21 =	vld [tilespmem:s3+$0xFFFFFFA0]  }
0xf1: {  	v19 =	vsub.f32 v19, v6;
	v13 =	vadd.f32 $-1.955273440e+01, v13;
	v6 =	vmul.f32 $1.591549370e-01, v23;
	v23 =	vld [tilespmem:s3+$0xFFFFFFB0]  }
0xf2: {  	v12 =	vsub.f32 v12, v24;
	v10 =	vmul.f32 v10, v10;
	v16 =	vsub.f32 v16, v25;
	v24 =	vld [tilespmem:s3+$0xFFFFFFC0]  }
0xf3: {  	v11 =	vsub.f32 v15, v11;
	v15 =	vsub.f32 v18, v22;
	v13 =	vmul.f32 v13, v14;
	[tilespmem:s31+$0x170] =	vst v9;
	v9 =	vld [tilespmem:s3+$0xFFFFFFD0]  }
0xf4: {  	v12 =	vmul.f32 v12, v12;
	v17 =	vsub.f32 v26, v17;
	v14 =	vmul.f32 v19, v19;
	v18 =	vld [tilespmem:s3+$0xFFFFFFE0]  }
0xf5: {  	v16 =	vmul.f32 v16, v16;
	v11 =	vmul.f32 v11, v11;
	v13 =	vadd.f32 $9.985668060e-01, v13  }
0xf6: {  	v15 =	vmul.f32 v15, v15;
	v19 =	vadd.f32 $1.258291200e+07, v3;
	v17 =	vmul.f32 v17, v17;
	v20 =	vld.idx.msk [tilespmem:v20+s7+$0x0], $0xffff  }
0xf7: {  	v25 =	vmul.f32 $5.958028030e+01, v10;
	v22 =	vmul.f32 $5.958028030e+01, v14;
	[tilespmem:s30+$0xFFFFFF70] =	vst v13;
	v13 =	vadd.f32 $1.258291200e+07, v4;
	v26 =	vld.idx.msk [tilespmem:v27+s7+$0x0], $0xffff  }
0xf8: {  	v28 =	vmul.f32 $5.958028030e+01, v16;
	v30 =	vadd.f32 $1.258291200e+07, v5;
	v27 =	vmul.f32 $5.958028030e+01, v12;
	v29 =	vld [tilespmem:s12+$0x70]  }
0xf9: {  	v31 =	vmul.f32 $5.958028030e+01, v11;
	v32 =	vmul.f32 $5.958028030e+01, v15;
	v22 =	vsub.f32 $6.110729600e+01, v22;
	v21 =	vld.idx.msk [tilespmem:v21+s7+$0x0], $0xffff  }
0xfa: {  	v25 =	vsub.f32 $6.110729600e+01, v25;
	v33 =	vmul.f32 $5.958028030e+01, v17;
	v27 =	vsub.f32 $6.110729600e+01, v27;
	v23 =	vld.idx.msk [tilespmem:v23+s7+$0x0], $0xffff  }
0xfb: {  	v28 =	vsub.f32 $6.110729600e+01, v28;
	v31 =	vsub.f32 $6.110729600e+01, v31;
	v22 =	vmul.f32 v22, v14;
	v24 =	vld.idx.msk [tilespmem:v24+s7+$0x0], $0xffff  }
0xfc: {  	v25 =	vmul.f32 v25, v10;
	v32 =	vsub.f32 $6.110729600e+01, v32;
	v33 =	vsub.f32 $6.110729600e+01, v33;
	[tilespmem:s28+$0x80] =	vst v20;
	v9 =	vld.idx.msk [tilespmem:v9+s7+$0x0], $0xffff  }
0xfd: {  	v20 =	vadd.f32 $-1.955273440e+01, v22;
	v22 =	vmul.f32 v27, v12;
	v27 =	vmul.f32 $1.591549370e-01, v29;
	[tilespmem:s28+$0x90] =	vst v26;
	v18 =	vld.idx.msk [tilespmem:v18+s7+$0x0], $0xffff  }
0xfe: {  	v25 =	vadd.f32 $-1.955273440e+01, v25;
	v26 =	vmul.f32 v28, v16;
	v28 =	vmul.f32 v31, v11;
	v29 =	vld [tilespmem:s3+$0x0]  }
0xff: {  	v31 =	vmul.f32 v32, v15;
	v32 =	vmul.f32 v33, v17;
	v33 =	vadd.f32 $1.258291200e+07, v27;
	v34 =	vld [tilespmem:s3+$0x10];
	[tilespmem:s28+$0xA0] =	vst v21  }
0x100: {  	v14 =	vmul.f32 v20, v14;
	v20 =	vadd.f32 $-1.955273440e+01, v22;
	v21 =	vadd.f32 $-1.955273440e+01, v26;
	v22 =	vld [tilespmem:s3+$0x20];
	[tilespmem:s28+$0xB0] =	vst v23  }
0x101: {  	v10 =	vmul.f32 v25, v10;
	v23 =	vadd.f32 $-1.955273440e+01, v28;
	v25 =	vadd.f32 $-1.258291200e+07, v33;
	v26 =	vld [tilespmem:s3+$0x30];
	[tilespmem:s28+$0xC0] =	vst v24  }
0x102: {  	v12 =	vmul.f32 v20, v12;
	v20 =	vadd.f32 $-1.955273440e+01, v31;
	v24 =	vadd.f32 $-1.955273440e+01, v32;
	v28 =	vld [tilespmem:s3+$0x40];
	[tilespmem:s28+$0xD0] =	vst v9  }
0x103: {  	v9 =	vmul.f32 v21, v16;
	v11 =	vmul.f32 v23, v11;
	v16 =	vsub.f32 v27, v25;
	v21 =	vld [tilespmem:s3+$0x50];
	[tilespmem:s28+$0xE0] =	vst v18  }
0x104: {  	v14 =	vadd.f32 $9.985668060e-01, v14;
	v15 =	vmul.f32 v20, v15;
	v17 =	vmul.f32 v24, v17;
	v18 =	vld [tilespmem:s3+$0x60];
	s3 =	smov.u32 s0  }
0x105: {  	v10 =	vadd.f32 $9.985668060e-01, v10;
	v12 =	vadd.f32 $9.985668060e-01, v12;
	v16 =	vmul.f32 v16, v16  }
0x106: {  	v8 =	vmul.f32 $1.591549370e-01, v8;
	v9 =	vadd.f32 $9.985668060e-01, v9;
	v11 =	vadd.f32 $9.985668060e-01, v11;
	[tilespmem:s30+$0xFFFFFF00] =	vst v14;
	v14 =	vld.idx.msk [tilespmem:v29+s7+$0x0], $0xffff  }
0x107: {  	v20 =	vld [tilespmem:s12+$0x0];
	[tilespmem:s30+$0xFFFFFF10] =	vst v10;
	v10 =	vadd.f32 $9.985668060e-01, v15;
	v15 =	vadd.f32 $9.985668060e-01, v17;
	v17 =	vmul.f32 $5.958028030e+01, v16  }
0x108: {  	v24 =	vadd.f32 $1.258291200e+07, v8;
	v23 =	vld [tilespmem:s12+$0x10];
	[tilespmem:s30+$0xFFFFFF20] =	vst v12;
	v12 =	vadd.f32 $1.258291200e+07, v6  }
0x109: {  	v25 =	vld [tilespmem:s12+$0x20];
	[tilespmem:s30+$0xFFFFFF30] =	vst v9;
	v9 =	vsub.f32 $6.110729600e+01, v17;
	v17 =	vadd.f32 $-1.258291200e+07, v19  }
0x10a: {  	v19 =	vld [tilespmem:s12+$0x30];
	[tilespmem:s30+$0xFFFFFF40] =	vst v11;
	v11 =	vadd.f32 $-1.258291200e+07, v13;
	v13 =	vadd.f32 $-1.258291200e+07, v30  }
0x10b: {  	v27 =	vld [tilespmem:s12+$0x40];
	[tilespmem:s30+$0xFFFFFF50] =	vst v10;
	v9 =	vmul.f32 v9, v16;
	v10 =	vadd.f32 $-1.258291200e+07, v12;
	v12 =	vadd.f32 $-1.258291200e+07, v24  }
0x10c: {  	v3 =	vsub.f32 v3, v17;
	v20 =	vmul.f32 $1.591549370e-01, v20;
	v24 =	vld [tilespmem:s12+$0x50];
	[tilespmem:s30+$0xFFFFFF60] =	vst v15;
	v4 =	vsub.f32 v4, v11  }
0x10d: {  	v5 =	vsub.f32 v5, v13;
	v11 =	vmul.f32 $1.591549370e-01, v23;
	v15 =	vld [tilespmem:s12+$0x60];
	v9 =	vadd.f32 $-1.955273440e+01, v9;
	[tilespmem:s28+$0x100] =	vst v14  }
0x10e: {  	v10 =	vsub.f32 v6, v10;
	v13 =	vadd.f32 $1.258291200e+07, v20;
	v14 =	vmul.f32 $1.591549370e-01, v25;
	v17 =	vld.idx.msk [tilespmem:v34+s7+$0x0], $0xffff  }
0x10f: {  	v6 =	vadd.f32 $1.258291200e+07, v11;
	v19 =	vmul.f32 $1.591549370e-01, v19;
	v9 =	vmul.f32 v9, v16;
	v16 =	vld.idx.msk [tilespmem:v22+s7+$0x0], $0xffff  }
0x110: {  	v13 =	vadd.f32 $-1.258291200e+07, v13;
	v22 =	vadd.f32 $1.258291200e+07, v14;
	v23 =	vmul.f32 $1.591549370e-01, v27;
	v25 =	vld.idx.msk [tilespmem:v26+s7+$0x0], $0xffff  }
0x111: {  	v26 =	vadd.f32 $1.258291200e+07, v19;
	v24 =	vmul.f32 $1.591549370e-01, v24;
	v9 =	vadd.f32 $9.985668060e-01, v9;
	v27 =	vld.idx.msk [tilespmem:v28+s7+$0x0], $0xffff  }
0x112: {  	v28 =	vadd.f32 $-1.258291200e+07, v6;
	v29 =	vadd.f32 $1.258291200e+07, v23;
	v15 =	vmul.f32 $1.591549370e-01, v15;
	v21 =	vld.idx.msk [tilespmem:v21+s7+$0x0], $0xffff  }
0x113: {  	v6 =	vmul.f32 v3, v3;
	v22 =	vadd.f32 $-1.258291200e+07, v22;
	v30 =	vadd.f32 $1.258291200e+07, v24;
	[tilespmem:s30+$0xFFFFFFF0] =	vst v9;
	v9 =	vld.idx.msk [tilespmem:v18+s7+$0x0], $0xffff  }
0x114: {  	v4 =	vmul.f32 v4, v4;
	v18 =	vadd.f32 $-1.258291200e+07, v26;
	v26 =	vadd.f32 $1.258291200e+07, v15;
	v31 =	vld [tilespmem:s12+$0xF0];
	[tilespmem:s28+$0x110] =	vst v17  }
0x115: {  	v3 =	vmul.f32 v5, v5;
	v17 =	vadd.f32 $-1.258291200e+07, v29;
	v29 =	vadd.f32 $-1.258291200e+07, v30;
	[tilespmem:s28+$0x120] =	vst v16  }
0x116: {  	v5 =	vmul.f32 v10, v10;
	v13 =	vsub.f32 v20, v13;
	v16 =	vadd.f32 $-1.258291200e+07, v26;
	[tilespmem:s28+$0x130] =	vst v25  }
0x117: {  	v10 =	vsub.f32 v11, v28;
	v11 =	vsub.f32 v14, v22;
	v14 =	vmul.f32 $5.958028030e+01, v6;
	[tilespmem:s28+$0x140] =	vst v27  }
0x118: {  	v13 =	vmul.f32 v13, v13;
	v18 =	vsub.f32 v19, v18;
	v17 =	vsub.f32 v23, v17;
	[tilespmem:s28+$0x150] =	vst v21  }
0x119: {  	v19 =	vsub.f32 v24, v29;
	v15 =	vsub.f32 v15, v16;
	v16 =	vmul.f32 $1.591549370e-01, v31;
	[tilespmem:s28+$0x160] =	vst v9;
	s28 =	smov.u32 s31;
	s31 =	smov.u32 s30  }
0x11a: {  	v20 =	vsub.f32 v8, v12;
	v9 =	vmul.f32 v10, v10;
	v10 =	vmul.f32 v11, v11  }
0x11b: {  	v12 =	vmul.f32 v17, v17;
	v11 =	vmul.f32 v18, v18;
	v8 =	vadd.f32 $1.258291200e+07, v16  }
0x11c: {  	v17 =	vmul.f32 v19, v19;
	v18 =	vsub.f32 $6.110729600e+01, v14;
	v15 =	vmul.f32 v15, v15  }
0x11d: {  	v14 =	vmul.f32 $5.958028030e+01, v13;
	v19 =	vmul.f32 $5.958028030e+01, v9;
	v21 =	vadd.f32 $-1.258291200e+07, v8  }
0x11e: {  	v22 =	vmul.f32 $5.958028030e+01, v10;
	v23 =	vmul.f32 $5.958028030e+01, v11;
	v8 =	vadd.f32 $-1.955273440e+01, v7  }
0x11f: {  	v24 =	vmul.f32 $5.958028030e+01, v17;
	v7 =	vmul.f32 $5.958028030e+01, v12;
	v16 =	vsub.f32 v16, v21  }
0x120: {  	v14 =	vsub.f32 $6.110729600e+01, v14;
	v19 =	vsub.f32 $6.110729600e+01, v19;
	v21 =	vmul.f32 $5.958028030e+01, v15  }
0x121: {  	v22 =	vsub.f32 $6.110729600e+01, v22;
	v23 =	vsub.f32 $6.110729600e+01, v23;
	v16 =	vmul.f32 v16, v16  }
0x122: {  	v14 =	vmul.f32 v14, v13;
	v24 =	vsub.f32 $6.110729600e+01, v24;
	v7 =	vsub.f32 $6.110729600e+01, v7  }
0x123: {  	v19 =	vmul.f32 v19, v9;
	v21 =	vsub.f32 $6.110729600e+01, v21;
	v25 =	vmul.f32 $5.958028030e+01, v16  }
0x124: {  	v14 =	vadd.f32 $-1.955273440e+01, v14;
	v22 =	vmul.f32 v22, v10;
	v23 =	vmul.f32 v23, v11  }
0x125: {  	v24 =	vmul.f32 v24, v17;
	v7 =	vmul.f32 v7, v12;
	v25 =	vsub.f32 $6.110729600e+01, v25  }
0x126: {  	v19 =	vadd.f32 $-1.955273440e+01, v19;
	v22 =	vadd.f32 $-1.955273440e+01, v22;
	v21 =	vmul.f32 v21, v15  }
0x127: {  	v23 =	vadd.f32 $-1.955273440e+01, v23;
	v7 =	vadd.f32 $-1.955273440e+01, v7;
	v25 =	vmul.f32 v25, v16  }
0x128: {  	v13 =	vmul.f32 v14, v13;
	v14 =	vadd.f32 $-1.955273440e+01, v24;
	v21 =	vadd.f32 $-1.955273440e+01, v21  }
0x129: {  	v9 =	vmul.f32 v19, v9;
	v10 =	vmul.f32 v22, v10;
	v19 =	vadd.f32 $-1.955273440e+01, v25  }
.Ltmp5:
0x12a: {  	v13 =	vadd.f32 $9.985668060e-01, v13;
	v11 =	vmul.f32 v23, v11;
	v7 =	vmul.f32 v7, v12;
	(pc) =	sbr.rel @p1 .LBB2_4-.Ltmp5, $4  }
0x12b: {  	v17 =	vmul.f32 v14, v17;
	v9 =	vadd.f32 $9.985668060e-01, v9;
	v14 =	vmul.f32 v19, v16  }
0x12c: {  	v10 =	vadd.f32 $9.985668060e-01, v10;
	v16 =	vmul.f32 v21, v15;
	[tilespmem:s30+$0xFFFFFF80] =	vst v13;
	v13 =	vadd.f32 $9.985668060e-01, v11  }
0x12d: {  	v11 =	vadd.f32 $9.985668060e-01, v7;
	v7 =	vmul.f32 v20, v20;
	v12 =	vld [tilespmem:s12+$0x80];
	[tilespmem:s30+$0xFFFFFF90] =	vst v9;
	v15 =	vadd.f32 $9.985668060e-01, v14  }
0x12e: {  	v9 =	vadd.f32 $9.985668060e-01, v16;
	s12 =	sadd.s32 $0x200, s12;
	v16 =	vmul.f32 v18, v6;
	v14 =	vld [tilespmem:s29+$0x90];
	[tilespmem:s30+$0xFFFFFFA0] =	vst v10;
	v10 =	vadd.f32 $9.985668060e-01, v17  }
0x12f: {  	v17 =	vmul.f32 $5.958028030e+01, v4;
	v18 =	vmul.f32 $5.958028030e+01, v3  }
0x130: {  	v2 =	vadd.f32 $-1.955273440e+01, v2;
	v19 =	vmul.f32 $5.958028030e+01, v5;
	v20 =	vmul.f32 $5.958028030e+01, v7  }
0x131: {  	v1 =	vmul.f32 v8, v1;
	v16 =	vadd.f32 $-1.955273440e+01, v16;
	v29 =	vsub.f32 $6.110729600e+01, v17  }
0x132: {  	[tilespmem:s30+$0x70] =	vst v15;
	s0 =	sadd.s32 $0x100, s0;
	v34 =	vld [tilespmem:s29+$0xA0];
	v30 =	vsub.f32 $6.110729600e+01, v18;
	v31 =	vsub.f32 $6.110729600e+01, v19;
	v0 =	vmul.f32 v2, v0  }
0x133: {  	[tilespmem:s30+$0xFFFFFFB0] =	vst v13;
	v15 =	vld [tilespmem:s0+$0xFFFFFFF0];
	v1 =	vadd.f32 $9.985668060e-01, v1;
	v12 =	vmul.f32 $1.591549370e-01, v12;
	v8 =	vmul.f32 v29, v4  }
0x134: {  	[tilespmem:s30+$0xFFFFFFC0] =	vst v11;
	v36 =	vld [tilespmem:s29+$0xB0];
	v32 =	vsub.f32 $6.110729600e+01, v20;
	v6 =	vmul.f32 v16, v6;
	v17 =	vmul.f32 v30, v3  }
0x135: {  	v38 =	vld [tilespmem:s29+$0xC0];
	v14 =	vmul.f32 $1.591549370e-01, v14;
	v18 =	vmul.f32 v31, v5;
	[tilespmem:s28+$0x0] =	vst v1;
	v8 =	vadd.f32 $-1.955273440e+01, v8  }
0x136: {  	[tilespmem:s30+$0xFFFFFFD0] =	vst v10;
	v37 =	vmul.f32 v32, v7;
	v0 =	vadd.f32 $9.985668060e-01, v0;
	v46 =	vld [tilespmem:s3+$0xFFFFFF80];
	v17 =	vadd.f32 $-1.955273440e+01, v17  }
0x137: {  	[tilespmem:s30+$0xFFFFFFE0] =	vst v9;
	v41 =	vld [tilespmem:s29+$0xD0];
	v33 =	vadd.f32 $1.258291200e+07, v12;
	v43 =	vadd.f32 $9.985668060e-01, v6;
	v40 =	vmul.f32 v8, v4  }
0x138: {  	v44 =	vld [tilespmem:s29+$0xE0];
	v39 =	vadd.f32 $-1.955273440e+01, v18;
	v10 =	vadd.f32 $-1.955273440e+01, v37;
	[tilespmem:s28+$0x10] =	vst v0;
	v42 =	vmul.f32 v17, v3  }
0x139: {  	v13 =	vadd.f32 $-1.258291200e+07, v33;
	[tilespmem:s28+$0x20] =	vst v43;
	v49 =	vld [tilespmem:s3+$0xFFFFFF90];
	v4 =	vadd.f32 $9.985668060e-01, v40  }
0x13a: {  	v45 =	vmul.f32 v39, v5;
	v51 =	vld [tilespmem:s3+$0xFFFFFFA0];
	v3 =	vadd.f32 $9.985668060e-01, v42  }
0x13b: {  	v35 =	vadd.f32 $1.258291200e+07, v14;
	v48 =	vmul.f32 v10, v7;
	v15 =	vld.idx.msk [tilespmem:v15+s7+$0x0], $0xffff;
	v50 =	vsub.f32 v12, v13;
	[tilespmem:s28+$0x30] =	vst v4  }
0x13c: {  	v54 =	vmul.f32 $1.591549370e-01, v34;
	v2 =	vmul.f32 $1.591549370e-01, v36;
	v5 =	vadd.f32 $9.985668060e-01, v45;
	[tilespmem:s28+$0x40] =	vst v3;
	v52 =	vld [tilespmem:s3+$0xFFFFFFB0]  }
0x13d: {  	v16 =	vmul.f32 $1.591549370e-01, v38;
	v7 =	vadd.f32 $9.985668060e-01, v48;
	v10 =	vmul.f32 v50, v50;
	v53 =	vld [tilespmem:s3+$0xFFFFFFC0]  }
0x13e: {  	v59 =	vadd.f32 $1.258291200e+07, v54;
	v47 =	vadd.f32 $-1.258291200e+07, v35;
	v8 =	vmul.f32 $1.591549370e-01, v41;
	[tilespmem:s28+$0x50] =	vst v5;
	v0 =	vld.idx.msk [tilespmem:v46+s7+$0x0], $0xffff  }
0x13f: {  	v60 =	vadd.f32 $1.258291200e+07, v2;
	v61 =	vadd.f32 $1.258291200e+07, v16;
	[tilespmem:s28+$0x60] =	vst v7;
	v55 =	vld [tilespmem:s3+$0xFFFFFFD0];
	v56 =	vmul.f32 $5.958028030e+01, v10  }
0x140: {  	v6 =	vmul.f32 $1.591549370e-01, v44;
	v17 =	vadd.f32 $-1.258291200e+07, v59;
	v9 =	vsub.f32 v14, v47;
	v57 =	vld [tilespmem:s3+$0xFFFFFFE0];
	[tilespmem:s31+$0xF0] =	vst v15  }
0x141: {  	v62 =	vadd.f32 $1.258291200e+07, v8;
	v15 =	vld [tilespmem:s0+$0x70];
	v12 =	vsub.f32 $6.110729600e+01, v56  }
0x142: {  	v63 =	vadd.f32 $1.258291200e+07, v6;
	v7 =	vsub.f32 v54, v17;
	v1 =	vld.idx.msk [tilespmem:v49+s7+$0x0], $0xffff  }
0x143: {  	v9 =	vmul.f32 v9, v9;
	v20 =	vadd.f32 $-1.258291200e+07, v62;
	v4 =	vld.idx.msk [tilespmem:v51+s7+$0x0], $0xffff;
	v12 =	vmul.f32 v12, v10;
	[tilespmem:s28+$0x80] =	vst v0  }
0x144: {  	v18 =	vadd.f32 $-1.258291200e+07, v60;
	v19 =	vadd.f32 $-1.258291200e+07, v61;
	v7 =	vmul.f32 v7, v7;
	v26 =	vld [tilespmem:s3+$0x0]  }
0x145: {  	v58 =	vmul.f32 $5.958028030e+01, v9;
	v8 =	vsub.f32 v8, v20;
	v36 =	vadd.f32 $-1.955273440e+01, v12;
	v3 =	vld.idx.msk [tilespmem:v52+s7+$0x0], $0xffff  }
0x146: {  	v25 =	vadd.f32 $-1.258291200e+07, v63;
	v2 =	vsub.f32 v2, v18;
	v27 =	vmul.f32 $5.958028030e+01, v7;
	v5 =	vld.idx.msk [tilespmem:v53+s7+$0x0], $0xffff  }
0x147: {  	v14 =	vsub.f32 $6.110729600e+01, v58;
	v8 =	vmul.f32 v8, v8;
	v11 =	vld.idx.msk [tilespmem:v55+s7+$0x0], $0xffff;
	v10 =	vmul.f32 v36, v10  }
0x148: {  	v16 =	vsub.f32 v16, v19;
	v32 =	vsub.f32 $6.110729600e+01, v27;
	[tilespmem:s28+$0x90] =	vst v1;
	v24 =	vld.idx.msk [tilespmem:v57+s7+$0x0], $0xffff  }
0x149: {  	v14 =	vmul.f32 v14, v9;
	v39 =	vmul.f32 $5.958028030e+01, v8;
	v28 =	vld [tilespmem:s3+$0x10];
	[tilespmem:s28+$0xA0] =	vst v4;
	v10 =	vadd.f32 $9.985668060e-01, v10  }
0x14a: {  	v29 =	vsub.f32 v6, v25;
	v2 =	vmul.f32 v2, v2;
	v31 =	vmul.f32 v16, v16;
	v30 =	vld [tilespmem:s3+$0x20]  }
0x14b: {  	v37 =	vmul.f32 v32, v7;
	v14 =	vadd.f32 $-1.955273440e+01, v14;
	v19 =	vsub.f32 $6.110729600e+01, v39;
	v15 =	vld.idx.msk [tilespmem:v15+s7+$0x0], $0xffff;
	[tilespmem:s31+$0x0] =	vst v10  }
0x14c: {  	v38 =	vmul.f32 $5.958028030e+01, v31;
	v4 =	vmul.f32 v29, v29;
	[tilespmem:s28+$0xB0] =	vst v3;
	v48 =	vld [tilespmem:s0+$0xFFFFFF80]  }
0x14d: {  	v12 =	vadd.f32 $-1.955273440e+01, v37;
	v19 =	vmul.f32 v19, v8;
	v9 =	vmul.f32 v14, v9;
	[tilespmem:s28+$0xC0] =	vst v5;
	v33 =	vld [tilespmem:s3+$0x30]  }
0x14e: {  	v34 =	vmul.f32 $5.958028030e+01, v2;
	v42 =	vsub.f32 $6.110729600e+01, v38;
	v41 =	vmul.f32 $5.958028030e+01, v4;
	[tilespmem:s28+$0xD0] =	vst v11;
	v35 =	vld [tilespmem:s3+$0x40]  }
0x14f: {  	v7 =	vmul.f32 v12, v7;
	v45 =	vadd.f32 $-1.955273440e+01, v19;
	v46 =	vadd.f32 $9.985668060e-01, v9;
	[tilespmem:s28+$0xE0] =	vst v24;
	v40 =	vld [tilespmem:s3+$0x50]  }
0x150: {  	v0 =	vsub.f32 $6.110729600e+01, v41;
	v5 =	vsub.f32 $6.110729600e+01, v34;
	v43 =	vld [tilespmem:s3+$0x60]  }
0x151: {  	v11 =	vmul.f32 v42, v31;
	v7 =	vadd.f32 $9.985668060e-01, v7;
	v8 =	vmul.f32 v45, v8;
	[tilespmem:s31+$0x10] =	vst v46;
	v1 =	vld.idx.msk [tilespmem:v26+s7+$0x0], $0xffff  }
0x152: {  	v0 =	vmul.f32 v0, v4;
	v49 =	vld [tilespmem:s0+$0xFFFFFF90]  }
0x153: {  	v5 =	vmul.f32 v5, v2;
	v11 =	vadd.f32 $-1.955273440e+01, v11;
	[tilespmem:s31+$0x20] =	vst v7;
	v50 =	vadd.f32 $9.985668060e-01, v8;
	v18 =	vld.idx.msk [tilespmem:v28+s7+$0x0], $0xffff  }
0x154: {  	v0 =	vadd.f32 $-1.955273440e+01, v0;
	v51 =	vld [tilespmem:s0+$0xFFFFFFA0]  }
0x155: {  	v5 =	vadd.f32 $-1.955273440e+01, v5;
	v6 =	vld.idx.msk [tilespmem:v30+s7+$0x0], $0xffff;
	v3 =	vmul.f32 v11, v31;
	[tilespmem:s31+$0x50] =	vst v50  }
0x156: {  	v0 =	vmul.f32 v0, v4;
	v54 =	vld [tilespmem:s0+$0xFFFFFFD0]  }
0x157: {  	v2 =	vmul.f32 v5, v2;
	v3 =	vadd.f32 $9.985668060e-01, v3;
	v5 =	vld.idx.msk [tilespmem:v48+s7+$0x0], $0xffff  }
0x158: {  	v0 =	vadd.f32 $9.985668060e-01, v0;
	v44 =	vld.idx.msk [tilespmem:v33+s7+$0x0], $0xffff  }
0x159: {  	v2 =	vadd.f32 $9.985668060e-01, v2;
	[tilespmem:s31+$0x40] =	vst v3;
	v47 =	vld.idx.msk [tilespmem:v35+s7+$0x0], $0xffff  }
0x15a: {  	v53 =	vld [tilespmem:s0+$0xFFFFFFC0];
	[tilespmem:s31+$0x60] =	vst v0  }
0x15b: {  	[tilespmem:s31+$0x30] =	vst v2;
	v55 =	vld [tilespmem:s0+$0xFFFFFFE0]  }
0x15c: {  	v52 =	vld [tilespmem:s0+$0xFFFFFFB0]  }
0x15d: {  	v56 =	vld.idx.msk [tilespmem:v40+s7+$0x0], $0xffff  }
0x15e: {  	v4 =	vld.idx.msk [tilespmem:v49+s7+$0x0], $0xffff  }
0x15f: {  	v2 =	vld.idx.msk [tilespmem:v51+s7+$0x0], $0xffff  }
0x160: {  	v0 =	vld.idx.msk [tilespmem:v54+s7+$0x0], $0xffff;
	[tilespmem:s31+$0x80] =	vst v5  }
0x161: {  	v58 =	vld [tilespmem:s0+$0x0]  }
0x162: {  	v7 =	vld.idx.msk [tilespmem:v53+s7+$0x0], $0xffff  }
0x163: {  	[tilespmem:s31+$0x170] =	vst v15;
	v57 =	vld.idx.msk [tilespmem:v55+s7+$0x0], $0xffff  }
0x164: {  	[tilespmem:s31+$0x90] =	vst v4;
	v3 =	vld.idx.msk [tilespmem:v52+s7+$0x0], $0xffff  }
0x165: {  	v59 =	vld [tilespmem:s0+$0x10];
	[tilespmem:s31+$0xA0] =	vst v2  }
0x166: {  	v2 =	vld [tilespmem:s0+$0x20];
	[tilespmem:s31+$0xD0] =	vst v0  }
0x167: {  	v0 =	vld [tilespmem:s0+$0x50];
	[tilespmem:s31+$0xC0] =	vst v7  }
0x168: {  	v7 =	vld [tilespmem:s0+$0x40];
	[tilespmem:s31+$0xE0] =	vst v57  }
0x169: {  	[tilespmem:s31+$0xB0] =	vst v3;
	v60 =	vld [tilespmem:s0+$0x60]  }
0x16a: {  	[tilespmem:s28+$0x100] =	vst v1;
	v3 =	vld [tilespmem:s0+$0x30]  }
0x16b: {  	[tilespmem:s28+$0x110] =	vst v18;
	v61 =	vld.idx.msk [tilespmem:v43+s7+$0x0], $0xffff  }
0x16c: {  	[tilespmem:s28+$0x120] =	vst v6;
	v4 =	vld.idx.msk [tilespmem:v58+s7+$0x0], $0xffff  }
0x16d: {  	[tilespmem:s28+$0x130] =	vst v44;
	v62 =	vld.idx.msk [tilespmem:v59+s7+$0x0], $0xffff  }
0x16e: {  	[tilespmem:s28+$0x140] =	vst v47;
	v2 =	vld.idx.msk [tilespmem:v2+s7+$0x0], $0xffff  }
0x16f: {  	[tilespmem:s28+$0x150] =	vst v56;
	v0 =	vld.idx.msk [tilespmem:v0+s7+$0x0], $0xffff  }
0x170: {  	[tilespmem:s28+$0x160] =	vst v61;
	v63 =	vld.idx.msk [tilespmem:v7+s7+$0x0], $0xffff  }
0x171: {  	[tilespmem:s31+$0x100] =	vst v4;
	v1 =	vld.idx.msk [tilespmem:v60+s7+$0x0], $0xffff  }
0x172: {  	[tilespmem:s31+$0x110] =	vst v62;
	v3 =	vld.idx.msk [tilespmem:v3+s7+$0x0], $0xffff  }
0x173: {  	[tilespmem:s31+$0x120] =	vst v2  }
0x174: {  	[tilespmem:s31+$0x150] =	vst v0  }
0x175: {  	s30 =	smul.u32 $0x500, s26;
	[tilespmem:s31+$0x140] =	vst v63  }
0x176: {  	[tilespmem:s31+$0x160] =	vst v1  }
0x177: {  	s0 =	sadd.s32 s5, s30;
	[tilespmem:s31+$0x130] =	vst v3  }
0x178: {  	[hbm4b:s0+s16] =	stream.strided.scatter [tilespmem:s18], [sflag:$0x3], $0x1E00, s17, s16, $0x38;
	[tilespmem:$0x1FEA0] =	vst v63  }
.LBB2_6:
0x179: {  	s0 =	sadd.s32 s10, s25  }
0x17a: {  	p1 =	sgt.u32 s0, $0x1387  }
0x17b: {  	s1 =	smul.u32 @!p1 $0x140, s0  }
.Ltmp6:
0x17c: {  	s3 =	simm.s32 @!p1 $0x0;
	(pc) =	sbr.rel @p0 .LBB2_10-.Ltmp6, $4  }
0x17d: {  	s12 =	simm.s32 @!p1 $0x186A0;
	s0 =	smul.u32 @!p1 $0x280, s0;
	s1 =	sadd.s32 @!p1 s4, s1  }
0x17e: {  	[tilespmem:s12], [sflag:$0x1] =	stream.linear.gather @!p1 [hbm4b:s1+s3], $0xA00, $0x38;
	[tilespmem:$0x1FEA0] =	vst v63  }
0x17f: {  	s0 =	sadd.s32 @!p1 s2, s0;
	s1 =	simm.s32 @!p1 $0x19AA0  }
0x180: {  	[tilespmem:s1], [sflag:$0x1] =	stream.linear.gather @!p1 [hbm4b:s0+s3], $0x1400, $0x38;
	[tilespmem:$0x1FEA0] =	vst v63  }
0x181: {  	_ =	swait.ge [sflag:s19], $0xA00  }
0x182: {  	[sflag:s19] =	ssyncset.done $0x0  }
0x183: {  	[sflag:s19] =	ssyncadd.s32 $0xFFFFF600  }
0x184: {  	_ =	swait.ge [sflag:s19], $0x1400  }
0x185: {  	p0 =	seq.s32 s23, $0x0;
	[sflag:s19] =	ssyncset.done $0x0  }
0x186: {  	s0 =	simm.s32 @!p0 $0x4;
	[sflag:s19] =	ssyncadd.s32 $0xFFFFEC00  }
0x187: {  	_ =	swait.ge @!p0 [sflag:s0], $0x1E00  }
0x188: {  	[sflag:s0] =	ssyncset.done @!p0 $0x0  }
0x189: {  	s31 =	simm.s32 $0x1AFA0;
	[sflag:s0] =	ssyncadd.s32 @!p0 $0xFFFFE200  }
0x18a: {  	v0 =	vld [tilespmem:s31+$0xFFFFFF70];
	_ =	sdelay $0x2  }
0x18b: {  	v1 =	vld [tilespmem:s31+$0xFFFFFF10]  }
0x18c: {  	s25 =	simm.s32 $0x1E220;
	v2 =	vld [tilespmem:s31+$0xFFFFFF20]  }
0x18d: {  	v3 =	vld [tilespmem:s31+$0xFFFFFF30];
	[tilespmem:s25+$0xFFFFFEF0] =	vst v0  }
0x18e: {  	v0 =	vld [tilespmem:s31+$0xFFFFFFF0]  }
0x18f: {  	v4 =	vld [tilespmem:s31+$0xFFFFFF40]  }
0x190: {  	[tilespmem:s25+$0xFFFFFE90] =	vst v1;
	v1 =	vld [tilespmem:s31+$0xFFFFFF00]  }
0x191: {  	[tilespmem:s25+$0xFFFFFEA0] =	vst v2;
	v2 =	vld [tilespmem:s31+$0xFFFFFF90]  }
0x192: {  	v5 =	vld [tilespmem:s31+$0xFFFFFF50]  }
0x193: {  	v6 =	vld [tilespmem:s31+$0xFFFFFF60];
	[tilespmem:s25+$0xFFFFFEB0] =	vst v3;
	v0 =	vmul.f32 $1.591549370e-01, v0  }
0x194: {  	[tilespmem:s25+$0xFFFFFEC0] =	vst v4;
	v3 =	vld [tilespmem:s31+$0xFFFFFFA0]  }
0x195: {  	v4 =	vld [tilespmem:s31+$0xFFFFFFB0];
	[tilespmem:s25+$0xFFFFFE80] =	vst v1;
	v7 =	vadd.f32 $1.258291200e+07, v0  }
0x196: {  	v1 =	vmul.f32 $1.591549370e-01, v2;
	v2 =	vld [tilespmem:s31+$0xFFFFFF80]  }
0x197: {  	[tilespmem:s25+$0xFFFFFED0] =	vst v5;
	v5 =	vld [tilespmem:s31+$0xFFFFFFC0];
	v7 =	vadd.f32 $-1.258291200e+07, v7;
	_ =	sdelay $0x1  }
0x198: {  	v8 =	vld [tilespmem:s31+$0xFFFFFFD0];
	v0 =	vsub.f32 v0, v7  }
0x199: {  	v3 =	vmul.f32 $1.591549370e-01, v3  }
0x19a: {  	v2 =	vmul.f32 $1.591549370e-01, v2;
	v0 =	vmul.f32 v0, v0  }
0x19b: {  	[tilespmem:s25+$0xFFFFFEE0] =	vst v6;
	v4 =	vmul.f32 $1.591549370e-01, v4;
	v5 =	vmul.f32 $1.591549370e-01, v5;
	v6 =	vadd.f32 $1.258291200e+07, v1  }
0x19c: {  	v9 =	vadd.f32 $1.258291200e+07, v3;
	v14 =	vadd.f32 $1.258291200e+07, v2;
	v10 =	vmul.f32 $5.958028030e+01, v0  }
0x19d: {  	v8 =	vmul.f32 $1.591549370e-01, v8;
	v11 =	vadd.f32 $1.258291200e+07, v4;
	v12 =	vadd.f32 $1.258291200e+07, v5  }
0x19e: {  	v7 =	vld [tilespmem:s31+$0xFFFFFFE0];
	v14 =	vadd.f32 $-1.258291200e+07, v14;
	v10 =	vsub.f32 $6.110729600e+01, v10  }
0x19f: {  	v13 =	vadd.f32 $1.258291200e+07, v8;
	v6 =	vadd.f32 $-1.258291200e+07, v6  }
0x1a0: {  	v9 =	vadd.f32 $-1.258291200e+07, v9;
	v2 =	vsub.f32 v2, v14;
	v10 =	vmul.f32 v10, v0  }
0x1a1: {  	v11 =	vadd.f32 $-1.258291200e+07, v11;
	v1 =	vsub.f32 v1, v6  }
0x1a2: {  	v6 =	vadd.f32 $-1.258291200e+07, v13;
	v2 =	vmul.f32 v2, v2;
	v10 =	vadd.f32 $-1.955273440e+01, v10  }
0x1a3: {  	v12 =	vadd.f32 $-1.258291200e+07, v12;
	v4 =	vsub.f32 v4, v11;
	v7 =	vmul.f32 $1.591549370e-01, v7  }
0x1a4: {  	v6 =	vsub.f32 v8, v6;
	v8 =	vmul.f32 $5.958028030e+01, v2;
	v0 =	vmul.f32 v10, v0  }
0x1a5: {  	v3 =	vsub.f32 v3, v9;
	v1 =	vmul.f32 v1, v1;
	v15 =	vadd.f32 $1.258291200e+07, v7  }
0x1a6: {  	v4 =	vmul.f32 v4, v4;
	v8 =	vsub.f32 $6.110729600e+01, v8;
	v0 =	vadd.f32 $9.985668060e-01, v0  }
0x1a7: {  	v5 =	vsub.f32 v5, v12;
	v3 =	vmul.f32 v3, v3;
	v6 =	vmul.f32 v6, v6  }
0x1a8: {  	v11 =	vmul.f32 $5.958028030e+01, v4;
	v10 =	vadd.f32 $-1.258291200e+07, v15;
	v8 =	vmul.f32 v8, v2;
	[tilespmem:s25+$0xFFFFFF70] =	vst v0  }
0x1a9: {  	v0 =	vmul.f32 v5, v5;
	v5 =	vmul.f32 $5.958028030e+01, v1;
	v9 =	vld [tilespmem:s31+$0x70]  }
0x1aa: {  	v13 =	vmul.f32 $5.958028030e+01, v6;
	v7 =	vsub.f32 v7, v10;
	v8 =	vadd.f32 $-1.955273440e+01, v8  }
0x1ab: {  	v11 =	vsub.f32 $6.110729600e+01, v11;
	v10 =	vmul.f32 $5.958028030e+01, v3;
	v5 =	vsub.f32 $6.110729600e+01, v5  }
0x1ac: {  	v13 =	vsub.f32 $6.110729600e+01, v13;
	v7 =	vmul.f32 v7, v7;
	v2 =	vmul.f32 v8, v2  }
0x1ad: {  	v10 =	vsub.f32 $6.110729600e+01, v10;
	v12 =	vmul.f32 $5.958028030e+01, v0;
	v5 =	vmul.f32 v5, v1  }
0x1ae: {  	v14 =	vmul.f32 $5.958028030e+01, v7;
	v2 =	vadd.f32 $9.985668060e-01, v2;
	v9 =	vmul.f32 $1.591549370e-01, v9  }
0x1af: {  	v10 =	vmul.f32 v10, v3;
	v12 =	vsub.f32 $6.110729600e+01, v12;
	v5 =	vadd.f32 $-1.955273440e+01, v5  }
0x1b0: {  	v8 =	vsub.f32 $6.110729600e+01, v14;
	v15 =	vadd.f32 $1.258291200e+07, v9  }
0x1b1: {  	v10 =	vadd.f32 $-1.955273440e+01, v10;
	v12 =	vmul.f32 v12, v0;
	v1 =	vmul.f32 v5, v1  }
0x1b2: {  	[tilespmem:s25+$0xFFFFFF00] =	vst v2;
	v2 =	vmul.f32 v8, v7;
	v5 =	vmul.f32 v11, v4;
	v11 =	vadd.f32 $-1.258291200e+07, v15  }
0x1b3: {  	v3 =	vmul.f32 v10, v3;
	v8 =	vadd.f32 $-1.955273440e+01, v12;
	v1 =	vadd.f32 $9.985668060e-01, v1  }
0x1b4: {  	v10 =	vld [tilespmem:s31+$0x0];
	v5 =	vadd.f32 $-1.955273440e+01, v5;
	v9 =	vsub.f32 v9, v11  }
0x1b5: {  	v13 =	vmul.f32 v13, v6;
	v3 =	vadd.f32 $9.985668060e-01, v3;
	v0 =	vmul.f32 v8, v0;
	[tilespmem:s25+$0xFFFFFF10] =	vst v1  }
0x1b6: {  	v2 =	vadd.f32 $-1.955273440e+01, v2;
	v1 =	vmul.f32 v5, v4;
	v5 =	vld [tilespmem:s31+$0x10];
	v4 =	vmul.f32 v9, v9  }
0x1b7: {  	s26 =	simm.s32 $0x1B1A0;
	v0 =	vadd.f32 $9.985668060e-01, v0;
	v9 =	vadd.f32 $-1.955273440e+01, v13  }
0x1b8: {  	v17 =	vld [tilespmem:s26+$0xFFFFFF30];
	[tilespmem:s25+$0xFFFFFF20] =	vst v3;
	v2 =	vmul.f32 v2, v7;
	v1 =	vadd.f32 $9.985668060e-01, v1;
	v8 =	vmul.f32 $5.958028030e+01, v4  }
0x1b9: {  	v20 =	vld [tilespmem:s26+$0xFFFFFF50];
	v7 =	vmul.f32 $1.591549370e-01, v10;
	[tilespmem:s25+$0xFFFFFF40] =	vst v0;
	v6 =	vmul.f32 v9, v6  }
0x1ba: {  	v3 =	vld [tilespmem:s31+$0x20];
	v2 =	vadd.f32 $9.985668060e-01, v2;
	[tilespmem:s25+$0xFFFFFF30] =	vst v1;
	v1 =	vsub.f32 $6.110729600e+01, v8  }
0x1bb: {  	v9 =	vadd.f32 $1.258291200e+07, v7;
	v6 =	vadd.f32 $9.985668060e-01, v6;
	v8 =	vld [tilespmem:s31+$0x30];
	v0 =	vmul.f32 $1.591549370e-01, v5  }
0x1bc: {  	[tilespmem:s25+$0xFFFFFF60] =	vst v2;
	v5 =	vld [tilespmem:s31+$0x40];
	v1 =	vmul.f32 v1, v4  }
0x1bd: {  	v2 =	vadd.f32 $-1.258291200e+07, v9;
	v9 =	vld [tilespmem:s31+$0x60];
	[tilespmem:s25+$0xFFFFFF50] =	vst v6;
	v6 =	vadd.f32 $1.258291200e+07, v0  }
0x1be: {  	v1 =	vadd.f32 $-1.955273440e+01, v1  }
0x1bf: {  	v2 =	vsub.f32 v7, v2;
	v10 =	vld [tilespmem:s31+$0x50];
	v6 =	vadd.f32 $-1.258291200e+07, v6  }
0x1c0: {  	s28 =	simm.s32 $0x1E520;
	v3 =	vmul.f32 $1.591549370e-01, v3;
	v1 =	vmul.f32 v1, v4  }
0x1c1: {  	[tilespmem:s28+$0xFFFFFED0] =	vst v20;
	v2 =	vmul.f32 v2, v2;
	v8 =	vmul.f32 $1.591549370e-01, v8;
	v0 =	vsub.f32 v0, v6  }
0x1c2: {  	[tilespmem:s28+$0xFFFFFEB0] =	vst v17;
	v17 =	vld [tilespmem:s26+$0xFFFFFFD0];
	v5 =	vmul.f32 $1.591549370e-01, v5;
	v9 =	vmul.f32 $1.591549370e-01, v9;
	v1 =	vadd.f32 $9.985668060e-01, v1  }
0x1c3: {  	v4 =	vadd.f32 $1.258291200e+07, v3;
	v6 =	vadd.f32 $1.258291200e+07, v8;
	v0 =	vmul.f32 v0, v0  }
0x1c4: {  	v14 =	vadd.f32 $1.258291200e+07, v9;
	v7 =	vmul.f32 $1.591549370e-01, v10;
	[tilespmem:s25+$0xFFFFFFF0] =	vst v1;
	v1 =	vmul.f32 $5.958028030e+01, v2  }
0x1c5: {  	v10 =	vadd.f32 $1.258291200e+07, v5;
	v4 =	vadd.f32 $-1.258291200e+07, v4;
	v13 =	vmul.f32 $5.958028030e+01, v0;
	v12 =	vld [tilespmem:s31+$0xF0]  }
0x1c6: {  	v6 =	vadd.f32 $-1.258291200e+07, v6;
	v1 =	vsub.f32 $6.110729600e+01, v1  }
0x1c7: {  	v17 =	vmul.f32 $1.591549370e-01, v17;
	v14 =	vadd.f32 $-1.258291200e+07, v14;
	v13 =	vsub.f32 $6.110729600e+01, v13  }
0x1c8: {  	v11 =	vadd.f32 $1.258291200e+07, v7;
	v10 =	vadd.f32 $-1.258291200e+07, v10;
	v1 =	vmul.f32 v1, v2  }
0x1c9: {  	v3 =	vsub.f32 v3, v4;
	v4 =	vsub.f32 v8, v6;
	v6 =	vmul.f32 v13, v0  }
0x1ca: {  	v11 =	vadd.f32 $-1.258291200e+07, v11;
	v8 =	vmul.f32 $1.591549370e-01, v12;
	v1 =	vadd.f32 $-1.955273440e+01, v1  }
0x1cb: {  	v5 =	vsub.f32 v5, v10;
	v3 =	vmul.f32 v3, v3;
	v6 =	vadd.f32 $-1.955273440e+01, v6  }
0x1cc: {  	v4 =	vmul.f32 v4, v4;
	v10 =	vadd.f32 $1.258291200e+07, v8;
	v1 =	vmul.f32 v1, v2  }
0x1cd: {  	v7 =	vsub.f32 v7, v11;
	v2 =	vsub.f32 v9, v14;
	v0 =	vmul.f32 v6, v0  }
0x1ce: {  	v5 =	vmul.f32 v5, v5;
	v6 =	vadd.f32 $-1.258291200e+07, v10;
	v1 =	vadd.f32 $9.985668060e-01, v1  }
0x1cf: {  	v7 =	vmul.f32 v7, v7;
	v9 =	vmul.f32 $5.958028030e+01, v3;
	v0 =	vadd.f32 $9.985668060e-01, v0  }
0x1d0: {  	v2 =	vmul.f32 v2, v2;
	v10 =	vmul.f32 $5.958028030e+01, v4;
	v6 =	vsub.f32 v8, v6;
	[tilespmem:s25+$0xFFFFFF80] =	vst v1  }
0x1d1: {  	v13 =	vld [tilespmem:s26+$0xFFFFFF70];
	v1 =	vmul.f32 $5.958028030e+01, v5;
	v8 =	vmul.f32 $5.958028030e+01, v7;
	[tilespmem:s25+$0xFFFFFF90] =	vst v0;
	v0 =	vsub.f32 $6.110729600e+01, v9  }
0x1d2: {  	v12 =	vmul.f32 $5.958028030e+01, v2;
	v10 =	vsub.f32 $6.110729600e+01, v10;
	v11 =	vld [tilespmem:s31+$0x80];
	v6 =	vmul.f32 v6, v6  }
0x1d3: {  	v9 =	vld [tilespmem:s31+$0x90];
	v1 =	vsub.f32 $6.110729600e+01, v1;
	v8 =	vsub.f32 $6.110729600e+01, v8;
	v0 =	vmul.f32 v0, v3  }
0x1d4: {  	v15 =	vld [tilespmem:s26+$0xFFFFFF10];
	v12 =	vsub.f32 $6.110729600e+01, v12;
	v10 =	vmul.f32 v10, v4;
	v14 =	vmul.f32 $5.958028030e+01, v6  }
0x1d5: {  	v18 =	vld [tilespmem:s26+$0xFFFFFF40];
	v36 =	vadd.f32 $1.258291200e+07, v17;
	v1 =	vmul.f32 v1, v5;
	v8 =	vmul.f32 v8, v7  }
0x1d6: {  	v16 =	vld [tilespmem:s26+$0xFFFFFF20];
	[tilespmem:s28+$0xFFFFFEF0] =	vst v13;
	v0 =	vadd.f32 $-1.955273440e+01, v0;
	v12 =	vmul.f32 v12, v2;
	v10 =	vadd.f32 $-1.955273440e+01, v10  }
0x1d7: {  	v14 =	vsub.f32 $6.110729600e+01, v14;
	v11 =	vmul.f32 $1.591549370e-01, v11;
	v1 =	vadd.f32 $-1.955273440e+01, v1  }
0x1d8: {  	v19 =	vld [tilespmem:s26+$0xFFFFFFF0];
	v9 =	vmul.f32 $1.591549370e-01, v9;
	v8 =	vadd.f32 $-1.955273440e+01, v8;
	v12 =	vadd.f32 $-1.955273440e+01, v12  }
0x1d9: {  	[tilespmem:s28+$0xFFFFFE90] =	vst v15;
	v4 =	vmul.f32 v10, v4;
	v10 =	vld [tilespmem:s26+$0xFFFFFF00];
	v13 =	vmul.f32 v14, v6;
	v14 =	vadd.f32 $1.258291200e+07, v11  }
0x1da: {  	[tilespmem:s28+$0xFFFFFEC0] =	vst v18;
	v0 =	vmul.f32 v0, v3;
	v21 =	vadd.f32 $1.258291200e+07, v9;
	v7 =	vmul.f32 v8, v7;
	v8 =	vld [tilespmem:s26+$0xFFFFFF90]  }
0x1db: {  	v2 =	vmul.f32 v12, v2;
	v12 =	vld [tilespmem:s26+$0xFFFFFFC0];
	v3 =	vadd.f32 $-1.955273440e+01, v13;
	v13 =	vadd.f32 $-1.258291200e+07, v14  }
0x1dc: {  	v5 =	vmul.f32 v1, v5;
	v4 =	vadd.f32 $9.985668060e-01, v4;
	v1 =	vadd.f32 $-1.258291200e+07, v21  }
0x1dd: {  	[tilespmem:s28+$0xFFFFFEA0] =	vst v16;
	v14 =	vld [tilespmem:s26+$0xFFFFFF60];
	v3 =	vmul.f32 v3, v6;
	v6 =	vsub.f32 v11, v13;
	v13 =	vmul.f32 $1.591549370e-01, v19  }
0x1de: {  	v11 =	vadd.f32 $9.985668060e-01, v0;
	v0 =	vsub.f32 v9, v1;
	v9 =	vld [tilespmem:s26+$0xFFFFFFA0]  }
0x1df: {  	v7 =	vadd.f32 $9.985668060e-01, v7;
	[tilespmem:s25+$0xFFFFFFB0] =	vst v4;
	v1 =	vmul.f32 v6, v6;
	v6 =	vld [tilespmem:s26+$0xFFFFFFB0];
	v15 =	vadd.f32 $1.258291200e+07, v13  }
0x1e0: {  	v5 =	vadd.f32 $9.985668060e-01, v5;
	[tilespmem:s28+$0xFFFFFE80] =	vst v10;
	v8 =	vmul.f32 $1.591549370e-01, v8;
	v12 =	vmul.f32 $1.591549370e-01, v12  }
0x1e1: {  	v19 =	vld [tilespmem:s31+$0xB0];
	[tilespmem:s25+$0xFFFFFFD0] =	vst v7;
	v0 =	vmul.f32 v0, v0;
	v16 =	vmul.f32 $5.958028030e+01, v1;
	v10 =	vadd.f32 $-1.258291200e+07, v15  }
0x1e2: {  	[tilespmem:s28+$0xFFFFFEE0] =	vst v14;
	v4 =	vadd.f32 $1.258291200e+07, v8;
	v7 =	vadd.f32 $1.258291200e+07, v12;
	v15 =	vld [tilespmem:s26+$0xFFFFFF80]  }
0x1e3: {  	[tilespmem:s25+$0xFFFFFFC0] =	vst v5;
	v18 =	vmul.f32 $5.958028030e+01, v0;
	v14 =	vsub.f32 $6.110729600e+01, v16;
	v16 =	vld [tilespmem:s26+$0xFFFFFFE0];
	v10 =	vsub.f32 v13, v10  }
0x1e4: {  	v21 =	vadd.f32 $-1.258291200e+07, v36;
	v35 =	vld [tilespmem:s31+$0xC0];
	v9 =	vmul.f32 $1.591549370e-01, v9;
	v6 =	vmul.f32 $1.591549370e-01, v6  }
0x1e5: {  	v4 =	vadd.f32 $-1.258291200e+07, v4;
	v7 =	vadd.f32 $-1.258291200e+07, v7;
	v10 =	vmul.f32 v10, v10  }
0x1e6: {  	v19 =	vmul.f32 $1.591549370e-01, v19;
	v13 =	vadd.f32 $1.258291200e+07, v9;
	v5 =	vadd.f32 $1.258291200e+07, v6  }
0x1e7: {  	v4 =	vsub.f32 v8, v4;
	v15 =	vmul.f32 $1.591549370e-01, v15;
	v22 =	vmul.f32 $5.958028030e+01, v10  }
0x1e8: {  	v13 =	vadd.f32 $-1.258291200e+07, v13;
	v5 =	vadd.f32 $-1.258291200e+07, v5;
	v16 =	vmul.f32 $1.591549370e-01, v16  }
0x1e9: {  	v20 =	vmul.f32 $1.591549370e-01, v35;
	v24 =	vadd.f32 $1.258291200e+07, v15;
	v22 =	vsub.f32 $6.110729600e+01, v22  }
0x1ea: {  	v4 =	vmul.f32 v4, v4;
	v9 =	vsub.f32 v9, v13;
	v25 =	vadd.f32 $1.258291200e+07, v16  }
0x1eb: {  	v24 =	vadd.f32 $-1.258291200e+07, v24;
	v5 =	vsub.f32 v6, v5;
	v22 =	vmul.f32 v22, v10  }
0x1ec: {  	v6 =	vsub.f32 v12, v7;
	v7 =	vsub.f32 v17, v21;
	v9 =	vmul.f32 v9, v9  }
0x1ed: {  	v8 =	vadd.f32 $-1.258291200e+07, v25;
	v5 =	vmul.f32 v5, v5;
	v22 =	vadd.f32 $-1.955273440e+01, v22  }
0x1ee: {  	v15 =	vsub.f32 v15, v24;
	v6 =	vmul.f32 v6, v6;
	v7 =	vmul.f32 v7, v7  }
0x1ef: {  	v2 =	vadd.f32 $9.985668060e-01, v2;
	v17 =	vmul.f32 $5.958028030e+01, v9;
	v10 =	vmul.f32 v22, v10  }
0x1f0: {  	v12 =	vmul.f32 v15, v15;
	v8 =	vsub.f32 v16, v8;
	v16 =	vmul.f32 $5.958028030e+01, v4  }
0x1f1: {  	v37 =	vmul.f32 $5.958028030e+01, v5;
	v40 =	vmul.f32 $5.958028030e+01, v6;
	v10 =	vadd.f32 $9.985668060e-01, v10  }
0x1f2: {  	[tilespmem:s25+$0xFFFFFFA0] =	vst v11;
	v11 =	vsub.f32 $6.110729600e+01, v18;
	v8 =	vmul.f32 v8, v8;
	v15 =	vmul.f32 $5.958028030e+01, v12  }
0x1f3: {  	v26 =	vmul.f32 $5.958028030e+01, v7;
	v17 =	vsub.f32 $6.110729600e+01, v17;
	v16 =	vsub.f32 $6.110729600e+01, v16;
	[tilespmem:s28+$0xFFFFFF70] =	vst v10  }
0x1f4: {  	v21 =	vsub.f32 $6.110729600e+01, v37;
	v15 =	vsub.f32 $6.110729600e+01, v15;
	v27 =	vmul.f32 $5.958028030e+01, v8;
	v38 =	vld [tilespmem:s26+$0x70]  }
0x1f5: {  	v25 =	vsub.f32 $6.110729600e+01, v40;
	v26 =	vsub.f32 $6.110729600e+01, v26;
	v16 =	vmul.f32 v16, v4  }
0x1f6: {  	v18 =	vld [tilespmem:s31+$0xA0];
	v17 =	vmul.f32 v17, v9;
	v15 =	vmul.f32 v15, v12;
	v27 =	vsub.f32 $6.110729600e+01, v27  }
0x1f7: {  	v21 =	vmul.f32 v21, v5;
	v25 =	vmul.f32 v25, v6;
	v16 =	vadd.f32 $-1.955273440e+01, v16  }
0x1f8: {  	v26 =	vmul.f32 v26, v7;
	v15 =	vadd.f32 $-1.955273440e+01, v15;
	v27 =	vmul.f32 v27, v8  }
0x1f9: {  	v4 =	vmul.f32 v16, v4;
	v16 =	vadd.f32 $-1.955273440e+01, v25;
	v22 =	vmul.f32 $1.591549370e-01, v38  }
0x1fa: {  	[tilespmem:s25+$0xFFFFFFE0] =	vst v2;
	v2 =	vmul.f32 v15, v12;
	v12 =	vadd.f32 $-1.955273440e+01, v17;
	v15 =	vadd.f32 $-1.955273440e+01, v21  }
0x1fb: {  	v23 =	vld [tilespmem:s31+$0xD0];
	v18 =	vmul.f32 $1.591549370e-01, v18;
	v42 =	vadd.f32 $-1.955273440e+01, v27;
	v28 =	vadd.f32 $1.258291200e+07, v22  }
0x1fc: {  	v4 =	vadd.f32 $9.985668060e-01, v4;
	v9 =	vmul.f32 v12, v9;
	v12 =	vadd.f32 $-1.955273440e+01, v26  }
0x1fd: {  	v5 =	vmul.f32 v15, v5;
	v2 =	vadd.f32 $9.985668060e-01, v2;
	v41 =	vadd.f32 $-1.258291200e+07, v28  }
0x1fe: {  	v39 =	vadd.f32 $1.258291200e+07, v20;
	v6 =	vmul.f32 v16, v6;
	v8 =	vmul.f32 v42, v8;
	[tilespmem:s28+$0xFFFFFF10] =	vst v4  }
0x1ff: {  	v16 =	vld [tilespmem:s26+$0x10];
	v7 =	vmul.f32 v12, v7;
	[tilespmem:s28+$0xFFFFFF00] =	vst v2;
	v2 =	vadd.f32 $9.985668060e-01, v5;
	v15 =	vsub.f32 v22, v41  }
0x200: {  	v23 =	vmul.f32 $1.591549370e-01, v23;
	v13 =	vadd.f32 $1.258291200e+07, v18;
	v5 =	vadd.f32 $9.985668060e-01, v6  }
0x201: {  	v17 =	vld [tilespmem:s31+$0xE0];
	v4 =	vadd.f32 $9.985668060e-01, v7;
	v7 =	vadd.f32 $9.985668060e-01, v8;
	[tilespmem:s28+$0xFFFFFF30] =	vst v2;
	v12 =	vmul.f32 v15, v15  }
0x202: {  	v13 =	vadd.f32 $-1.258291200e+07, v13;
	v10 =	vadd.f32 $1.258291200e+07, v19;
	v2 =	vmul.f32 v11, v0;
	[tilespmem:s28+$0xFFFFFF40] =	vst v5;
	v11 =	vld [tilespmem:s26+$0x30]  }
0x203: {  	v3 =	vadd.f32 $9.985668060e-01, v3;
	v9 =	vadd.f32 $9.985668060e-01, v9;
	v44 =	vld [tilespmem:s26+$0x40];
	[tilespmem:s28+$0xFFFFFF60] =	vst v7;
	v8 =	vmul.f32 $5.958028030e+01, v12  }
0x204: {  	v5 =	vadd.f32 $-1.258291200e+07, v10;
	v7 =	vsub.f32 v18, v13;
	v13 =	vmul.f32 $1.591549370e-01, v16;
	v16 =	vld [tilespmem:s26+$0x60]  }
0x205: {  	v6 =	vld [tilespmem:s26+$0x0];
	v10 =	vadd.f32 $-1.258291200e+07, v39;
	v8 =	vsub.f32 $6.110729600e+01, v8  }
0x206: {  	[tilespmem:s28+$0xFFFFFF20] =	vst v9;
	v9 =	vadd.f32 $1.258291200e+07, v23;
	v5 =	vsub.f32 v19, v5;
	v15 =	vmul.f32 $1.591549370e-01, v17  }
0x207: {  	v43 =	vld [tilespmem:s26+$0x20];
	[tilespmem:s28+$0xFFFFFF50] =	vst v4;
	v10 =	vsub.f32 v20, v10;
	v45 =	vadd.f32 $1.258291200e+07, v13;
	v4 =	vmul.f32 v8, v12  }
0x208: {  	v17 =	vadd.f32 $1.258291200e+07, v15;
	v11 =	vmul.f32 $1.591549370e-01, v11;
	v46 =	vmul.f32 $1.591549370e-01, v44  }
0x209: {  	v20 =	vadd.f32 $-1.258291200e+07, v45;
	v16 =	vmul.f32 $1.591549370e-01, v16;
	v4 =	vadd.f32 $-1.955273440e+01, v4  }
0x20a: {  	v8 =	vadd.f32 $-1.258291200e+07, v9;
	v9 =	vadd.f32 $-1.258291200e+07, v17;
	v17 =	vmul.f32 $1.591549370e-01, v6;
	v6 =	vld [tilespmem:s26+$0x50]  }
0x20b: {  	[tilespmem:s25+$0x70] =	vst v3;
	v3 =	vadd.f32 $1.258291200e+07, v11;
	v49 =	vadd.f32 $1.258291200e+07, v46;
	v4 =	vmul.f32 v4, v12  }
0x20c: {  	v19 =	vmul.f32 $1.591549370e-01, v43;
	v51 =	vadd.f32 $1.258291200e+07, v16;
	v18 =	vadd.f32 $1.258291200e+07, v17  }
0x20d: {  	s0 =	simm.s32 $0x19120;
	v24 =	vadd.f32 $-1.258291200e+07, v49;
	v4 =	vadd.f32 $9.985668060e-01, v4  }
0x20e: {  	v48 =	vld [tilespmem:s0+$0xFFFFFFF0];
	v14 =	vmul.f32 v14, v1;
	v12 =	vadd.f32 $-1.258291200e+07, v18;
	v18 =	vadd.f32 $1.258291200e+07, v19  }
0x20f: {  	v8 =	vsub.f32 v23, v8;
	v9 =	vsub.f32 v15, v9;
	v47 =	vmul.f32 $1.591549370e-01, v6;
	[tilespmem:s28+$0xFFFFFFF0] =	vst v4  }
0x210: {  	v6 =	vmul.f32 v7, v7;
	v7 =	vadd.f32 $-1.258291200e+07, v3;
	v18 =	vadd.f32 $-1.258291200e+07, v18;
	v52 =	vld [tilespmem:s26+$0xF0]  }
0x211: {  	v3 =	vmul.f32 v10, v10;
	v10 =	vsub.f32 v17, v12;
	v12 =	vadd.f32 $-1.258291200e+07, v51  }
0x212: {  	v50 =	vadd.f32 $1.258291200e+07, v47;
	v17 =	vmul.f32 $5.958028030e+01, v6;
	v7 =	vsub.f32 v11, v7  }
0x213: {  	v11 =	vsub.f32 v46, v24;
	v4 =	vmul.f32 v5, v5;
	v5 =	vmul.f32 v8, v8  }
0x214: {  	v8 =	vsub.f32 v13, v20;
	v13 =	vsub.f32 v19, v18;
	v10 =	vmul.f32 v10, v10  }
0x215: {  	v12 =	vsub.f32 v16, v12;
	v25 =	vadd.f32 $-1.258291200e+07, v50;
	v19 =	vmul.f32 $1.591549370e-01, v52  }
0x216: {  	v53 =	vld.idx.msk [tilespmem:v48+s7+$0x0], $0xffff;
	v7 =	vmul.f32 v7, v7;
	v11 =	vmul.f32 v11, v11;
	v17 =	vsub.f32 $6.110729600e+01, v17  }
0x217: {  	v8 =	vmul.f32 v8, v8;
	v13 =	vmul.f32 v13, v13;
	v16 =	vadd.f32 $1.258291200e+07, v19  }
0x218: {  	v12 =	vmul.f32 v12, v12;
	v15 =	vmul.f32 $5.958028030e+01, v10;
	v18 =	vsub.f32 v47, v25  }
0x219: {  	v56 =	vmul.f32 $5.958028030e+01, v7;
	v57 =	vmul.f32 $5.958028030e+01, v11;
	v16 =	vadd.f32 $-1.258291200e+07, v16  }
0x21a: {  	v54 =	vmul.f32 $5.958028030e+01, v8;
	v55 =	vmul.f32 $5.958028030e+01, v13;
	v15 =	vsub.f32 $6.110729600e+01, v15  }
0x21b: {  	[tilespmem:s25+$0xF0] =	vst v53;
	v59 =	vmul.f32 $5.958028030e+01, v12;
	v18 =	vmul.f32 v18, v18;
	v16 =	vsub.f32 v19, v16  }
0x21c: {  	v23 =	vsub.f32 $6.110729600e+01, v56;
	v24 =	vsub.f32 $6.110729600e+01, v57;
	v15 =	vmul.f32 v15, v10;
	v19 =	vld [tilespmem:s0+$0x70]  }
0x21d: {  	v21 =	vsub.f32 $6.110729600e+01, v54;
	v58 =	vmul.f32 $5.958028030e+01, v18;
	v16 =	vmul.f32 v16, v16  }
0x21e: {  	v22 =	vsub.f32 $6.110729600e+01, v55;
	v23 =	vmul.f32 v23, v7;
	v24 =	vmul.f32 v24, v11  }
0x21f: {  	v25 =	vsub.f32 $6.110729600e+01, v59;
	v21 =	vmul.f32 v21, v8;
	v60 =	vmul.f32 $5.958028030e+01, v16  }
0x220: {  	v22 =	vmul.f32 v22, v13;
	v15 =	vadd.f32 $-1.955273440e+01, v15;
	v20 =	vsub.f32 $6.110729600e+01, v58  }
0x221: {  	v25 =	vmul.f32 v25, v12;
	v23 =	vadd.f32 $-1.955273440e+01, v23;
	v26 =	vsub.f32 $6.110729600e+01, v60  }
0x222: {  	v24 =	vadd.f32 $-1.955273440e+01, v24;
	v21 =	vadd.f32 $-1.955273440e+01, v21;
	v10 =	vmul.f32 v15, v10  }
0x223: {  	v22 =	vadd.f32 $-1.955273440e+01, v22;
	v20 =	vmul.f32 v20, v18;
	v26 =	vmul.f32 v26, v16  }
0x224: {  	v61 =	vadd.f32 $-1.955273440e+01, v25;
	v7 =	vmul.f32 v23, v7;
	v8 =	vmul.f32 v21, v8;
	v15 =	vld.idx.msk [tilespmem:v19+s7+$0x0], $0xffff  }
0x225: {  	v11 =	vmul.f32 v24, v11;
	v10 =	vadd.f32 $9.985668060e-01, v10;
	v62 =	vadd.f32 $-1.955273440e+01, v26  }
0x226: {  	v13 =	vmul.f32 v22, v13;
	v63 =	vadd.f32 $9.985668060e-01, v8;
	v19 =	vadd.f32 $-1.955273440e+01, v20  }
0x227: {  	v11 =	vadd.f32 $9.985668060e-01, v11;
	v8 =	vadd.f32 $-1.955273440e+01, v14;
	[tilespmem:s28+$0xFFFFFF80] =	vst v10;
	v14 =	vmul.f32 v62, v16  }
0x228: {  	v10 =	vadd.f32 $9.985668060e-01, v13;
	[tilespmem:s28+$0xFFFFFF90] =	vst v63;
	v18 =	vmul.f32 v19, v18;
	v16 =	vmul.f32 v61, v12  }
0x229: {  	s12 =	simm.s32 $0x1B3A0;
	v13 =	vadd.f32 $9.985668060e-01, v7;
	v7 =	vmul.f32 v9, v9;
	v12 =	vld [tilespmem:s26+$0x80];
	[tilespmem:s25+$0x170] =	vst v15;
	v15 =	vadd.f32 $9.985668060e-01, v14  }
0x22a: {  	s1 =	simm.s32 $0x8;
	s29 =	simm.s32 $0x1E520;
	s3 =	simm.s32 $0x19120;
	[tilespmem:s28+$0xFFFFFFA0] =	vst v10;
	v10 =	vadd.f32 $9.985668060e-01, v18;
	v14 =	vld [tilespmem:s26+$0x90];
	v9 =	vadd.f32 $9.985668060e-01, v16;
	v16 =	vmul.f32 v17, v6  }
.LBB2_8:
0x22b: {  	v17 =	vld [tilespmem:s12+$0xFFFFFF70];
	[tilespmem:s28+$0x70] =	vst v15;
	v2 =	vadd.f32 $-1.955273440e+01, v2;
	v15 =	vmul.f32 $5.958028030e+01, v4;
	v18 =	vmul.f32 $5.958028030e+01, v3;
	s0 =	sadd.s32 $0x100, s0  }
0x22c: {  	s1 =	sadd.s32 $0x8, s1;
	v19 =	vmul.f32 $5.958028030e+01, v5;
	v20 =	vmul.f32 $5.958028030e+01, v7;
	[tilespmem:s28+$0xFFFFFFB0] =	vst v13;
	v13 =	vld [tilespmem:s0+$0xFFFFFFF0];
	v16 =	vadd.f32 $-1.955273440e+01, v16  }
0x22d: {  	v1 =	vmul.f32 v8, v1;
	p0 =	slt.u32 s1, $0x48;
	v21 =	vld [tilespmem:s12+$0xFFFFFF10];
	[tilespmem:s28+$0xFFFFFFC0] =	vst v11;
	v8 =	vsub.f32 $6.110729600e+01, v15;
	v11 =	vsub.f32 $6.110729600e+01, v18  }
0x22e: {  	v18 =	vsub.f32 $6.110729600e+01, v20;
	v15 =	vld [tilespmem:s12+$0xFFFFFF20];
	v12 =	vmul.f32 $1.591549370e-01, v12;
	[tilespmem:s28+$0xFFFFFFD0] =	vst v10;
	v10 =	vsub.f32 $6.110729600e+01, v19  }
0x22f: {  	v19 =	vld [tilespmem:s12+$0xFFFFFF30];
	v14 =	vmul.f32 $1.591549370e-01, v14;
	[tilespmem:s28+$0xFFFFFFE0] =	vst v9;
	v9 =	vadd.f32 $9.985668060e-01, v1;
	v1 =	vmul.f32 v8, v4  }
0x230: {  	s28 =	sadd.s32 $0x300, s28;
	v11 =	vmul.f32 v11, v3;
	v8 =	vld [tilespmem:s12+$0xFFFFFF40];
	v20 =	vadd.f32 $1.258291200e+07, v12;
	v10 =	vmul.f32 v10, v5  }
0x231: {  	v18 =	vmul.f32 v18, v7;
	v22 =	vld [tilespmem:s12+$0xFFFFFF50];
	[tilespmem:s28+$0xFFFFFEF0] =	vst v17;
	v17 =	vadd.f32 $1.258291200e+07, v14;
	v1 =	vadd.f32 $-1.955273440e+01, v1  }
0x232: {  	v0 =	vmul.f32 v2, v0;
	v2 =	vadd.f32 $-1.955273440e+01, v11;
	[tilespmem:s28+$0xFFFFFE90] =	vst v21;
	v21 =	vld [tilespmem:s12+$0xFFFFFFF0];
	v20 =	vadd.f32 $-1.258291200e+07, v20  }
0x233: {  	v6 =	vmul.f32 v16, v6;
	v10 =	vadd.f32 $-1.955273440e+01, v10;
	[tilespmem:s28+$0xFFFFFEA0] =	vst v15;
	v11 =	vld [tilespmem:s12+$0xFFFFFF60];
	v15 =	vadd.f32 $-1.258291200e+07, v17  }
0x234: {  	v16 =	vadd.f32 $-1.955273440e+01, v18;
	v4 =	vmul.f32 v1, v4;
	[tilespmem:s28+$0xFFFFFEB0] =	vst v19;
	v12 =	vsub.f32 v12, v20;
	v13 =	vld.idx.msk [tilespmem:v13+s7+$0x0], $0xffff  }
0x235: {  	v2 =	vmul.f32 v2, v3;
	v3 =	vmul.f32 v10, v5;
	v17 =	vld [tilespmem:s12+$0xFFFFFF00];
	[tilespmem:s28+$0xFFFFFEC0] =	vst v8;
	v8 =	vsub.f32 v14, v15  }
0x236: {  	v7 =	vmul.f32 v16, v7;
	v10 =	vadd.f32 $9.985668060e-01, v0;
	v5 =	vld [tilespmem:s12+$0xFFFFFF90];
	[tilespmem:s28+$0xFFFFFED0] =	vst v22;
	v1 =	vmul.f32 v12, v12  }
0x237: {  	v6 =	vadd.f32 $9.985668060e-01, v6;
	v12 =	vld [tilespmem:s12+$0xFFFFFFA0];
	v14 =	vmul.f32 $1.591549370e-01, v21;
	v0 =	vmul.f32 v8, v8;
	[tilespmem:s25+$0x0] =	vst v9  }
0x238: {  	v4 =	vadd.f32 $9.985668060e-01, v4;
	v8 =	vld [tilespmem:s12+$0xFFFFFFB0];
	[tilespmem:s28+$0xFFFFFEE0] =	vst v11;
	v9 =	vmul.f32 $5.958028030e+01, v1;
	v11 =	vadd.f32 $9.985668060e-01, v2  }
0x239: {  	v3 =	vadd.f32 $9.985668060e-01, v3;
	v2 =	vld [tilespmem:s12+$0xFFFFFFC0];
	v15 =	vadd.f32 $1.258291200e+07, v14;
	v16 =	vmul.f32 $5.958028030e+01, v0  }
0x23a: {  	v18 =	vld [tilespmem:s12+$0xFFFFFFD0];
	v9 =	vsub.f32 $6.110729600e+01, v9;
	[tilespmem:s29+$0xF0] =	vst v13;
	v13 =	vadd.f32 $9.985668060e-01, v7  }
0x23b: {  	[tilespmem:s28+$0xFFFFFE80] =	vst v17;
	v5 =	vmul.f32 $1.591549370e-01, v5;
	v15 =	vadd.f32 $-1.258291200e+07, v15;
	v17 =	vld [tilespmem:s0+$0x70]  }
0x23c: {  	v19 =	vld [tilespmem:s12+$0xFFFFFF80];
	v12 =	vmul.f32 $1.591549370e-01, v12;
	v7 =	vmul.f32 v9, v1;
	v9 =	vsub.f32 $6.110729600e+01, v16;
	[tilespmem:s25+$0x10] =	vst v10  }
0x23d: {  	v10 =	vadd.f32 $1.258291200e+07, v5;
	v16 =	vmul.f32 $1.591549370e-01, v8;
	v8 =	vld [tilespmem:s12+$0xFFFFFFE0];
	v14 =	vsub.f32 v14, v15;
	[tilespmem:s25+$0x20] =	vst v6  }
0x23e: {  	v6 =	vadd.f32 $1.258291200e+07, v12;
	v15 =	vmul.f32 $1.591549370e-01, v2;
	v2 =	vmul.f32 v9, v0;
	v9 =	vld [tilespmem:s26+$0xA0];
	[tilespmem:s25+$0x30] =	vst v4  }
0x23f: {  	v4 =	vadd.f32 $1.258291200e+07, v16;
	v18 =	vmul.f32 $1.591549370e-01, v18;
	v14 =	vmul.f32 v14, v14;
	v20 =	vld [tilespmem:s26+$0xB0];
	[tilespmem:s25+$0x40] =	vst v11  }
0x240: {  	v10 =	vadd.f32 $-1.258291200e+07, v10;
	v11 =	vadd.f32 $1.258291200e+07, v15;
	v21 =	vld [tilespmem:s26+$0xC0];
	[tilespmem:s25+$0x50] =	vst v3  }
0x241: {  	v19 =	vmul.f32 $1.591549370e-01, v19;
	v22 =	vadd.f32 $1.258291200e+07, v18;
	v3 =	vmul.f32 $5.958028030e+01, v14;
	v23 =	vld [tilespmem:s26+$0xD0]  }
0x242: {  	v24 =	vadd.f32 $-1.258291200e+07, v6;
	v25 =	vadd.f32 $-1.258291200e+07, v4;
	v26 =	vmul.f32 $1.591549370e-01, v8;
	v8 =	vld [tilespmem:s26+$0xE0];
	[tilespmem:s25+$0x60] =	vst v13;
	s26 =	smov.u32 s12  }
0x243: {  	v6 =	vadd.f32 $1.258291200e+07, v19;
	v13 =	vsub.f32 $6.110729600e+01, v3;
	v3 =	vmul.f32 $1.591549370e-01, v9;
	v9 =	vld.idx.msk [tilespmem:v17+s7+$0x0], $0xffff  }
0x244: {  	v11 =	vadd.f32 $-1.258291200e+07, v11;
	v17 =	vadd.f32 $1.258291200e+07, v26;
	v4 =	vmul.f32 $1.591549370e-01, v20;
	v20 =	vld [tilespmem:s3+$0xFFFFFF80]  }
0x245: {  	v22 =	vadd.f32 $-1.258291200e+07, v22;
	v6 =	vadd.f32 $-1.258291200e+07, v6;
	v13 =	vmul.f32 v13, v14;
	v27 =	vld [tilespmem:s3+$0xFFFFFF90]  }
0x246: {  	v10 =	vsub.f32 v5, v10;
	v5 =	vmul.f32 $1.591549370e-01, v21;
	v17 =	vadd.f32 $-1.258291200e+07, v17;
	v21 =	vld [tilespmem:s3+$0xFFFFFFA0]  }
0x247: {  	v19 =	vsub.f32 v19, v6;
	v13 =	vadd.f32 $-1.955273440e+01, v13;
	v6 =	vmul.f32 $1.591549370e-01, v23;
	v23 =	vld [tilespmem:s3+$0xFFFFFFB0]  }
0x248: {  	v12 =	vsub.f32 v12, v24;
	v10 =	vmul.f32 v10, v10;
	v16 =	vsub.f32 v16, v25;
	v24 =	vld [tilespmem:s3+$0xFFFFFFC0]  }
0x249: {  	v11 =	vsub.f32 v15, v11;
	v15 =	vsub.f32 v18, v22;
	v13 =	vmul.f32 v13, v14;
	[tilespmem:s29+$0x170] =	vst v9;
	v9 =	vld [tilespmem:s3+$0xFFFFFFD0]  }
0x24a: {  	v12 =	vmul.f32 v12, v12;
	v17 =	vsub.f32 v26, v17;
	v14 =	vmul.f32 v19, v19;
	v18 =	vld [tilespmem:s3+$0xFFFFFFE0]  }
0x24b: {  	v16 =	vmul.f32 v16, v16;
	v11 =	vmul.f32 v11, v11;
	v13 =	vadd.f32 $9.985668060e-01, v13  }
0x24c: {  	v15 =	vmul.f32 v15, v15;
	v19 =	vadd.f32 $1.258291200e+07, v3;
	v17 =	vmul.f32 v17, v17;
	v20 =	vld.idx.msk [tilespmem:v20+s7+$0x0], $0xffff  }
0x24d: {  	v25 =	vmul.f32 $5.958028030e+01, v10;
	v22 =	vmul.f32 $5.958028030e+01, v14;
	[tilespmem:s28+$0xFFFFFF70] =	vst v13;
	v13 =	vadd.f32 $1.258291200e+07, v4;
	v26 =	vld.idx.msk [tilespmem:v27+s7+$0x0], $0xffff  }
0x24e: {  	v28 =	vmul.f32 $5.958028030e+01, v16;
	v30 =	vadd.f32 $1.258291200e+07, v5;
	v27 =	vmul.f32 $5.958028030e+01, v12;
	v29 =	vld [tilespmem:s12+$0x70]  }
0x24f: {  	v31 =	vmul.f32 $5.958028030e+01, v11;
	v32 =	vmul.f32 $5.958028030e+01, v15;
	v22 =	vsub.f32 $6.110729600e+01, v22;
	v21 =	vld.idx.msk [tilespmem:v21+s7+$0x0], $0xffff  }
0x250: {  	v25 =	vsub.f32 $6.110729600e+01, v25;
	v33 =	vmul.f32 $5.958028030e+01, v17;
	v27 =	vsub.f32 $6.110729600e+01, v27;
	v23 =	vld.idx.msk [tilespmem:v23+s7+$0x0], $0xffff  }
0x251: {  	v28 =	vsub.f32 $6.110729600e+01, v28;
	v31 =	vsub.f32 $6.110729600e+01, v31;
	v22 =	vmul.f32 v22, v14;
	v24 =	vld.idx.msk [tilespmem:v24+s7+$0x0], $0xffff  }
0x252: {  	v25 =	vmul.f32 v25, v10;
	v32 =	vsub.f32 $6.110729600e+01, v32;
	v33 =	vsub.f32 $6.110729600e+01, v33;
	[tilespmem:s25+$0x80] =	vst v20;
	v9 =	vld.idx.msk [tilespmem:v9+s7+$0x0], $0xffff  }
0x253: {  	v20 =	vadd.f32 $-1.955273440e+01, v22;
	v22 =	vmul.f32 v27, v12;
	v27 =	vmul.f32 $1.591549370e-01, v29;
	[tilespmem:s25+$0x90] =	vst v26;
	v18 =	vld.idx.msk [tilespmem:v18+s7+$0x0], $0xffff  }
0x254: {  	v25 =	vadd.f32 $-1.955273440e+01, v25;
	v26 =	vmul.f32 v28, v16;
	v28 =	vmul.f32 v31, v11;
	v29 =	vld [tilespmem:s3+$0x0]  }
0x255: {  	v31 =	vmul.f32 v32, v15;
	v32 =	vmul.f32 v33, v17;
	v33 =	vadd.f32 $1.258291200e+07, v27;
	v34 =	vld [tilespmem:s3+$0x10];
	[tilespmem:s25+$0xA0] =	vst v21  }
0x256: {  	v14 =	vmul.f32 v20, v14;
	v20 =	vadd.f32 $-1.955273440e+01, v22;
	v21 =	vadd.f32 $-1.955273440e+01, v26;
	v22 =	vld [tilespmem:s3+$0x20];
	[tilespmem:s25+$0xB0] =	vst v23  }
0x257: {  	v10 =	vmul.f32 v25, v10;
	v23 =	vadd.f32 $-1.955273440e+01, v28;
	v25 =	vadd.f32 $-1.258291200e+07, v33;
	v26 =	vld [tilespmem:s3+$0x30];
	[tilespmem:s25+$0xC0] =	vst v24  }
0x258: {  	v12 =	vmul.f32 v20, v12;
	v20 =	vadd.f32 $-1.955273440e+01, v31;
	v24 =	vadd.f32 $-1.955273440e+01, v32;
	v28 =	vld [tilespmem:s3+$0x40];
	[tilespmem:s25+$0xD0] =	vst v9  }
0x259: {  	v9 =	vmul.f32 v21, v16;
	v11 =	vmul.f32 v23, v11;
	v16 =	vsub.f32 v27, v25;
	v21 =	vld [tilespmem:s3+$0x50];
	[tilespmem:s25+$0xE0] =	vst v18  }
0x25a: {  	v14 =	vadd.f32 $9.985668060e-01, v14;
	v15 =	vmul.f32 v20, v15;
	v17 =	vmul.f32 v24, v17;
	v18 =	vld [tilespmem:s3+$0x60];
	s3 =	smov.u32 s0  }
0x25b: {  	v10 =	vadd.f32 $9.985668060e-01, v10;
	v12 =	vadd.f32 $9.985668060e-01, v12;
	v16 =	vmul.f32 v16, v16  }
0x25c: {  	v8 =	vmul.f32 $1.591549370e-01, v8;
	v9 =	vadd.f32 $9.985668060e-01, v9;
	v11 =	vadd.f32 $9.985668060e-01, v11;
	[tilespmem:s28+$0xFFFFFF00] =	vst v14;
	v14 =	vld.idx.msk [tilespmem:v29+s7+$0x0], $0xffff  }
0x25d: {  	v20 =	vld [tilespmem:s12+$0x0];
	[tilespmem:s28+$0xFFFFFF10] =	vst v10;
	v10 =	vadd.f32 $9.985668060e-01, v15;
	v15 =	vadd.f32 $9.985668060e-01, v17;
	v17 =	vmul.f32 $5.958028030e+01, v16  }
0x25e: {  	v24 =	vadd.f32 $1.258291200e+07, v8;
	v23 =	vld [tilespmem:s12+$0x10];
	[tilespmem:s28+$0xFFFFFF20] =	vst v12;
	v12 =	vadd.f32 $1.258291200e+07, v6  }
0x25f: {  	v25 =	vld [tilespmem:s12+$0x20];
	[tilespmem:s28+$0xFFFFFF30] =	vst v9;
	v9 =	vsub.f32 $6.110729600e+01, v17;
	v17 =	vadd.f32 $-1.258291200e+07, v19  }
0x260: {  	v19 =	vld [tilespmem:s12+$0x30];
	[tilespmem:s28+$0xFFFFFF40] =	vst v11;
	v11 =	vadd.f32 $-1.258291200e+07, v13;
	v13 =	vadd.f32 $-1.258291200e+07, v30  }
0x261: {  	v27 =	vld [tilespmem:s12+$0x40];
	[tilespmem:s28+$0xFFFFFF50] =	vst v10;
	v9 =	vmul.f32 v9, v16;
	v10 =	vadd.f32 $-1.258291200e+07, v12;
	v12 =	vadd.f32 $-1.258291200e+07, v24  }
0x262: {  	v3 =	vsub.f32 v3, v17;
	v20 =	vmul.f32 $1.591549370e-01, v20;
	v24 =	vld [tilespmem:s12+$0x50];
	[tilespmem:s28+$0xFFFFFF60] =	vst v15;
	v4 =	vsub.f32 v4, v11  }
0x263: {  	v5 =	vsub.f32 v5, v13;
	v11 =	vmul.f32 $1.591549370e-01, v23;
	v15 =	vld [tilespmem:s12+$0x60];
	v9 =	vadd.f32 $-1.955273440e+01, v9;
	[tilespmem:s25+$0x100] =	vst v14  }
0x264: {  	v10 =	vsub.f32 v6, v10;
	v13 =	vadd.f32 $1.258291200e+07, v20;
	v14 =	vmul.f32 $1.591549370e-01, v25;
	v17 =	vld.idx.msk [tilespmem:v34+s7+$0x0], $0xffff  }
0x265: {  	v6 =	vadd.f32 $1.258291200e+07, v11;
	v19 =	vmul.f32 $1.591549370e-01, v19;
	v9 =	vmul.f32 v9, v16;
	v16 =	vld.idx.msk [tilespmem:v22+s7+$0x0], $0xffff  }
0x266: {  	v13 =	vadd.f32 $-1.258291200e+07, v13;
	v22 =	vadd.f32 $1.258291200e+07, v14;
	v23 =	vmul.f32 $1.591549370e-01, v27;
	v25 =	vld.idx.msk [tilespmem:v26+s7+$0x0], $0xffff  }
0x267: {  	v26 =	vadd.f32 $1.258291200e+07, v19;
	v24 =	vmul.f32 $1.591549370e-01, v24;
	v9 =	vadd.f32 $9.985668060e-01, v9;
	v27 =	vld.idx.msk [tilespmem:v28+s7+$0x0], $0xffff  }
0x268: {  	v28 =	vadd.f32 $-1.258291200e+07, v6;
	v29 =	vadd.f32 $1.258291200e+07, v23;
	v15 =	vmul.f32 $1.591549370e-01, v15;
	v21 =	vld.idx.msk [tilespmem:v21+s7+$0x0], $0xffff  }
0x269: {  	v6 =	vmul.f32 v3, v3;
	v22 =	vadd.f32 $-1.258291200e+07, v22;
	v30 =	vadd.f32 $1.258291200e+07, v24;
	[tilespmem:s28+$0xFFFFFFF0] =	vst v9;
	v9 =	vld.idx.msk [tilespmem:v18+s7+$0x0], $0xffff  }
0x26a: {  	v4 =	vmul.f32 v4, v4;
	v18 =	vadd.f32 $-1.258291200e+07, v26;
	v26 =	vadd.f32 $1.258291200e+07, v15;
	v31 =	vld [tilespmem:s12+$0xF0];
	[tilespmem:s25+$0x110] =	vst v17  }
0x26b: {  	v3 =	vmul.f32 v5, v5;
	v17 =	vadd.f32 $-1.258291200e+07, v29;
	v29 =	vadd.f32 $-1.258291200e+07, v30;
	[tilespmem:s25+$0x120] =	vst v16  }
0x26c: {  	v5 =	vmul.f32 v10, v10;
	v13 =	vsub.f32 v20, v13;
	v16 =	vadd.f32 $-1.258291200e+07, v26;
	[tilespmem:s25+$0x130] =	vst v25  }
0x26d: {  	v10 =	vsub.f32 v11, v28;
	v11 =	vsub.f32 v14, v22;
	v14 =	vmul.f32 $5.958028030e+01, v6;
	[tilespmem:s25+$0x140] =	vst v27  }
0x26e: {  	v13 =	vmul.f32 v13, v13;
	v18 =	vsub.f32 v19, v18;
	v17 =	vsub.f32 v23, v17;
	[tilespmem:s25+$0x150] =	vst v21  }
0x26f: {  	v19 =	vsub.f32 v24, v29;
	v15 =	vsub.f32 v15, v16;
	v16 =	vmul.f32 $1.591549370e-01, v31;
	[tilespmem:s25+$0x160] =	vst v9;
	s25 =	smov.u32 s29;
	s29 =	smov.u32 s28  }
0x270: {  	v20 =	vsub.f32 v8, v12;
	v9 =	vmul.f32 v10, v10;
	v10 =	vmul.f32 v11, v11  }
0x271: {  	v12 =	vmul.f32 v17, v17;
	v11 =	vmul.f32 v18, v18;
	v8 =	vadd.f32 $1.258291200e+07, v16  }
0x272: {  	v17 =	vmul.f32 v19, v19;
	v18 =	vsub.f32 $6.110729600e+01, v14;
	v15 =	vmul.f32 v15, v15  }
0x273: {  	v14 =	vmul.f32 $5.958028030e+01, v13;
	v19 =	vmul.f32 $5.958028030e+01, v9;
	v21 =	vadd.f32 $-1.258291200e+07, v8  }
0x274: {  	v22 =	vmul.f32 $5.958028030e+01, v10;
	v23 =	vmul.f32 $5.958028030e+01, v11;
	v8 =	vadd.f32 $-1.955273440e+01, v7  }
0x275: {  	v24 =	vmul.f32 $5.958028030e+01, v17;
	v7 =	vmul.f32 $5.958028030e+01, v12;
	v16 =	vsub.f32 v16, v21  }
0x276: {  	v14 =	vsub.f32 $6.110729600e+01, v14;
	v19 =	vsub.f32 $6.110729600e+01, v19;
	v21 =	vmul.f32 $5.958028030e+01, v15  }
0x277: {  	v22 =	vsub.f32 $6.110729600e+01, v22;
	v23 =	vsub.f32 $6.110729600e+01, v23;
	v16 =	vmul.f32 v16, v16  }
0x278: {  	v14 =	vmul.f32 v14, v13;
	v24 =	vsub.f32 $6.110729600e+01, v24;
	v7 =	vsub.f32 $6.110729600e+01, v7  }
0x279: {  	v19 =	vmul.f32 v19, v9;
	v21 =	vsub.f32 $6.110729600e+01, v21;
	v25 =	vmul.f32 $5.958028030e+01, v16  }
0x27a: {  	v14 =	vadd.f32 $-1.955273440e+01, v14;
	v22 =	vmul.f32 v22, v10;
	v23 =	vmul.f32 v23, v11  }
0x27b: {  	v24 =	vmul.f32 v24, v17;
	v7 =	vmul.f32 v7, v12;
	v25 =	vsub.f32 $6.110729600e+01, v25  }
0x27c: {  	v19 =	vadd.f32 $-1.955273440e+01, v19;
	v22 =	vadd.f32 $-1.955273440e+01, v22;
	v21 =	vmul.f32 v21, v15  }
0x27d: {  	v23 =	vadd.f32 $-1.955273440e+01, v23;
	v7 =	vadd.f32 $-1.955273440e+01, v7;
	v25 =	vmul.f32 v25, v16  }
0x27e: {  	v13 =	vmul.f32 v14, v13;
	v14 =	vadd.f32 $-1.955273440e+01, v24;
	v21 =	vadd.f32 $-1.955273440e+01, v21  }
0x27f: {  	v9 =	vmul.f32 v19, v9;
	v10 =	vmul.f32 v22, v10;
	v19 =	vadd.f32 $-1.955273440e+01, v25  }
.Ltmp7:
0x280: {  	v13 =	vadd.f32 $9.985668060e-01, v13;
	v11 =	vmul.f32 v23, v11;
	v7 =	vmul.f32 v7, v12;
	(pc) =	sbr.rel @p0 .LBB2_8-.Ltmp7, $4  }
0x281: {  	v17 =	vmul.f32 v14, v17;
	v9 =	vadd.f32 $9.985668060e-01, v9;
	v14 =	vmul.f32 v19, v16  }
0x282: {  	v10 =	vadd.f32 $9.985668060e-01, v10;
	v16 =	vmul.f32 v21, v15;
	[tilespmem:s28+$0xFFFFFF80] =	vst v13;
	v13 =	vadd.f32 $9.985668060e-01, v11  }
0x283: {  	v11 =	vadd.f32 $9.985668060e-01, v7;
	v7 =	vmul.f32 v20, v20;
	v12 =	vld [tilespmem:s12+$0x80];
	[tilespmem:s28+$0xFFFFFF90] =	vst v9;
	v15 =	vadd.f32 $9.985668060e-01, v14  }
0x284: {  	v9 =	vadd.f32 $9.985668060e-01, v16;
	s12 =	sadd.s32 $0x200, s12;
	v16 =	vmul.f32 v18, v6;
	v14 =	vld [tilespmem:s26+$0x90];
	[tilespmem:s28+$0xFFFFFFA0] =	vst v10;
	v10 =	vadd.f32 $9.985668060e-01, v17  }
0x285: {  	v17 =	vmul.f32 $5.958028030e+01, v4;
	v18 =	vmul.f32 $5.958028030e+01, v3  }
0x286: {  	v2 =	vadd.f32 $-1.955273440e+01, v2;
	v19 =	vmul.f32 $5.958028030e+01, v5;
	v20 =	vmul.f32 $5.958028030e+01, v7  }
0x287: {  	v1 =	vmul.f32 v8, v1;
	v16 =	vadd.f32 $-1.955273440e+01, v16;
	v29 =	vsub.f32 $6.110729600e+01, v17  }
0x288: {  	[tilespmem:s28+$0x70] =	vst v15;
	s0 =	sadd.s32 $0x100, s0;
	v34 =	vld [tilespmem:s26+$0xA0];
	v30 =	vsub.f32 $6.110729600e+01, v18;
	v31 =	vsub.f32 $6.110729600e+01, v19;
	v0 =	vmul.f32 v2, v0  }
0x289: {  	[tilespmem:s28+$0xFFFFFFB0] =	vst v13;
	v15 =	vld [tilespmem:s0+$0xFFFFFFF0];
	v1 =	vadd.f32 $9.985668060e-01, v1;
	v12 =	vmul.f32 $1.591549370e-01, v12;
	v8 =	vmul.f32 v29, v4  }
0x28a: {  	[tilespmem:s28+$0xFFFFFFC0] =	vst v11;
	v36 =	vld [tilespmem:s26+$0xB0];
	v32 =	vsub.f32 $6.110729600e+01, v20;
	v6 =	vmul.f32 v16, v6;
	v17 =	vmul.f32 v30, v3  }
0x28b: {  	v38 =	vld [tilespmem:s26+$0xC0];
	v14 =	vmul.f32 $1.591549370e-01, v14;
	v18 =	vmul.f32 v31, v5;
	[tilespmem:s25+$0x0] =	vst v1;
	v8 =	vadd.f32 $-1.955273440e+01, v8  }
0x28c: {  	[tilespmem:s28+$0xFFFFFFD0] =	vst v10;
	v37 =	vmul.f32 v32, v7;
	v0 =	vadd.f32 $9.985668060e-01, v0;
	v46 =	vld [tilespmem:s3+$0xFFFFFF80];
	v17 =	vadd.f32 $-1.955273440e+01, v17  }
0x28d: {  	[tilespmem:s28+$0xFFFFFFE0] =	vst v9;
	v41 =	vld [tilespmem:s26+$0xD0];
	v33 =	vadd.f32 $1.258291200e+07, v12;
	v43 =	vadd.f32 $9.985668060e-01, v6;
	v40 =	vmul.f32 v8, v4  }
0x28e: {  	v44 =	vld [tilespmem:s26+$0xE0];
	v39 =	vadd.f32 $-1.955273440e+01, v18;
	v10 =	vadd.f32 $-1.955273440e+01, v37;
	[tilespmem:s25+$0x10] =	vst v0;
	v42 =	vmul.f32 v17, v3  }
0x28f: {  	v13 =	vadd.f32 $-1.258291200e+07, v33;
	[tilespmem:s25+$0x20] =	vst v43;
	v49 =	vld [tilespmem:s3+$0xFFFFFF90];
	v4 =	vadd.f32 $9.985668060e-01, v40  }
0x290: {  	v45 =	vmul.f32 v39, v5;
	v51 =	vld [tilespmem:s3+$0xFFFFFFA0];
	v3 =	vadd.f32 $9.985668060e-01, v42  }
0x291: {  	v35 =	vadd.f32 $1.258291200e+07, v14;
	v48 =	vmul.f32 v10, v7;
	v15 =	vld.idx.msk [tilespmem:v15+s7+$0x0], $0xffff;
	v50 =	vsub.f32 v12, v13;
	[tilespmem:s25+$0x30] =	vst v4  }
0x292: {  	v54 =	vmul.f32 $1.591549370e-01, v34;
	v2 =	vmul.f32 $1.591549370e-01, v36;
	v5 =	vadd.f32 $9.985668060e-01, v45;
	[tilespmem:s25+$0x40] =	vst v3;
	v52 =	vld [tilespmem:s3+$0xFFFFFFB0]  }
0x293: {  	v16 =	vmul.f32 $1.591549370e-01, v38;
	v7 =	vadd.f32 $9.985668060e-01, v48;
	v10 =	vmul.f32 v50, v50;
	v53 =	vld [tilespmem:s3+$0xFFFFFFC0]  }
0x294: {  	v59 =	vadd.f32 $1.258291200e+07, v54;
	v47 =	vadd.f32 $-1.258291200e+07, v35;
	v8 =	vmul.f32 $1.591549370e-01, v41;
	[tilespmem:s25+$0x50] =	vst v5;
	v0 =	vld.idx.msk [tilespmem:v46+s7+$0x0], $0xffff  }
0x295: {  	v60 =	vadd.f32 $1.258291200e+07, v2;
	v61 =	vadd.f32 $1.258291200e+07, v16;
	[tilespmem:s25+$0x60] =	vst v7;
	v55 =	vld [tilespmem:s3+$0xFFFFFFD0];
	v56 =	vmul.f32 $5.958028030e+01, v10  }
0x296: {  	v6 =	vmul.f32 $1.591549370e-01, v44;
	v17 =	vadd.f32 $-1.258291200e+07, v59;
	v9 =	vsub.f32 v14, v47;
	v57 =	vld [tilespmem:s3+$0xFFFFFFE0];
	[tilespmem:s29+$0xF0] =	vst v15  }
0x297: {  	v62 =	vadd.f32 $1.258291200e+07, v8;
	v15 =	vld [tilespmem:s0+$0x70];
	v12 =	vsub.f32 $6.110729600e+01, v56  }
0x298: {  	v63 =	vadd.f32 $1.258291200e+07, v6;
	v7 =	vsub.f32 v54, v17;
	v1 =	vld.idx.msk [tilespmem:v49+s7+$0x0], $0xffff  }
0x299: {  	v9 =	vmul.f32 v9, v9;
	v20 =	vadd.f32 $-1.258291200e+07, v62;
	v4 =	vld.idx.msk [tilespmem:v51+s7+$0x0], $0xffff;
	v12 =	vmul.f32 v12, v10;
	[tilespmem:s25+$0x80] =	vst v0  }
0x29a: {  	v18 =	vadd.f32 $-1.258291200e+07, v60;
	v19 =	vadd.f32 $-1.258291200e+07, v61;
	v7 =	vmul.f32 v7, v7;
	v26 =	vld [tilespmem:s3+$0x0]  }
0x29b: {  	v58 =	vmul.f32 $5.958028030e+01, v9;
	v8 =	vsub.f32 v8, v20;
	v36 =	vadd.f32 $-1.955273440e+01, v12;
	v3 =	vld.idx.msk [tilespmem:v52+s7+$0x0], $0xffff  }
0x29c: {  	v25 =	vadd.f32 $-1.258291200e+07, v63;
	v2 =	vsub.f32 v2, v18;
	v27 =	vmul.f32 $5.958028030e+01, v7;
	v5 =	vld.idx.msk [tilespmem:v53+s7+$0x0], $0xffff  }
0x29d: {  	v14 =	vsub.f32 $6.110729600e+01, v58;
	v8 =	vmul.f32 v8, v8;
	v11 =	vld.idx.msk [tilespmem:v55+s7+$0x0], $0xffff;
	v10 =	vmul.f32 v36, v10  }
0x29e: {  	v16 =	vsub.f32 v16, v19;
	v32 =	vsub.f32 $6.110729600e+01, v27;
	[tilespmem:s25+$0x90] =	vst v1;
	v24 =	vld.idx.msk [tilespmem:v57+s7+$0x0], $0xffff  }
0x29f: {  	v14 =	vmul.f32 v14, v9;
	v39 =	vmul.f32 $5.958028030e+01, v8;
	v28 =	vld [tilespmem:s3+$0x10];
	[tilespmem:s25+$0xA0] =	vst v4;
	v10 =	vadd.f32 $9.985668060e-01, v10  }
0x2a0: {  	v29 =	vsub.f32 v6, v25;
	v2 =	vmul.f32 v2, v2;
	v31 =	vmul.f32 v16, v16;
	v30 =	vld [tilespmem:s3+$0x20]  }
0x2a1: {  	v37 =	vmul.f32 v32, v7;
	v14 =	vadd.f32 $-1.955273440e+01, v14;
	v19 =	vsub.f32 $6.110729600e+01, v39;
	v15 =	vld.idx.msk [tilespmem:v15+s7+$0x0], $0xffff;
	[tilespmem:s29+$0x0] =	vst v10  }
0x2a2: {  	v38 =	vmul.f32 $5.958028030e+01, v31;
	v4 =	vmul.f32 v29, v29;
	[tilespmem:s25+$0xB0] =	vst v3;
	v48 =	vld [tilespmem:s0+$0xFFFFFF80]  }
0x2a3: {  	v12 =	vadd.f32 $-1.955273440e+01, v37;
	v19 =	vmul.f32 v19, v8;
	v9 =	vmul.f32 v14, v9;
	[tilespmem:s25+$0xC0] =	vst v5;
	v33 =	vld [tilespmem:s3+$0x30]  }
0x2a4: {  	v34 =	vmul.f32 $5.958028030e+01, v2;
	v42 =	vsub.f32 $6.110729600e+01, v38;
	v41 =	vmul.f32 $5.958028030e+01, v4;
	[tilespmem:s25+$0xD0] =	vst v11;
	v35 =	vld [tilespmem:s3+$0x40]  }
0x2a5: {  	v7 =	vmul.f32 v12, v7;
	v45 =	vadd.f32 $-1.955273440e+01, v19;
	v46 =	vadd.f32 $9.985668060e-01, v9;
	[tilespmem:s25+$0xE0] =	vst v24;
	v40 =	vld [tilespmem:s3+$0x50]  }
0x2a6: {  	v0 =	vsub.f32 $6.110729600e+01, v41;
	v5 =	vsub.f32 $6.110729600e+01, v34;
	v43 =	vld [tilespmem:s3+$0x60]  }
0x2a7: {  	v11 =	vmul.f32 v42, v31;
	v7 =	vadd.f32 $9.985668060e-01, v7;
	v8 =	vmul.f32 v45, v8;
	[tilespmem:s29+$0x10] =	vst v46;
	v1 =	vld.idx.msk [tilespmem:v26+s7+$0x0], $0xffff  }
0x2a8: {  	v0 =	vmul.f32 v0, v4;
	v49 =	vld [tilespmem:s0+$0xFFFFFF90]  }
0x2a9: {  	v5 =	vmul.f32 v5, v2;
	v11 =	vadd.f32 $-1.955273440e+01, v11;
	[tilespmem:s29+$0x20] =	vst v7;
	v50 =	vadd.f32 $9.985668060e-01, v8;
	v18 =	vld.idx.msk [tilespmem:v28+s7+$0x0], $0xffff  }
0x2aa: {  	v0 =	vadd.f32 $-1.955273440e+01, v0;
	v51 =	vld [tilespmem:s0+$0xFFFFFFA0]  }
0x2ab: {  	v5 =	vadd.f32 $-1.955273440e+01, v5;
	v6 =	vld.idx.msk [tilespmem:v30+s7+$0x0], $0xffff;
	v3 =	vmul.f32 v11, v31;
	[tilespmem:s29+$0x50] =	vst v50  }
0x2ac: {  	v0 =	vmul.f32 v0, v4;
	v54 =	vld [tilespmem:s0+$0xFFFFFFD0]  }
0x2ad: {  	v2 =	vmul.f32 v5, v2;
	v3 =	vadd.f32 $9.985668060e-01, v3;
	v5 =	vld.idx.msk [tilespmem:v48+s7+$0x0], $0xffff  }
0x2ae: {  	v0 =	vadd.f32 $9.985668060e-01, v0;
	v44 =	vld.idx.msk [tilespmem:v33+s7+$0x0], $0xffff  }
0x2af: {  	v2 =	vadd.f32 $9.985668060e-01, v2;
	[tilespmem:s29+$0x40] =	vst v3;
	v47 =	vld.idx.msk [tilespmem:v35+s7+$0x0], $0xffff  }
0x2b0: {  	v53 =	vld [tilespmem:s0+$0xFFFFFFC0];
	[tilespmem:s29+$0x60] =	vst v0  }
0x2b1: {  	[tilespmem:s29+$0x30] =	vst v2;
	v55 =	vld [tilespmem:s0+$0xFFFFFFE0]  }
0x2b2: {  	v52 =	vld [tilespmem:s0+$0xFFFFFFB0]  }
0x2b3: {  	v56 =	vld.idx.msk [tilespmem:v40+s7+$0x0], $0xffff  }
0x2b4: {  	v4 =	vld.idx.msk [tilespmem:v49+s7+$0x0], $0xffff  }
0x2b5: {  	v2 =	vld.idx.msk [tilespmem:v51+s7+$0x0], $0xffff  }
0x2b6: {  	v0 =	vld.idx.msk [tilespmem:v54+s7+$0x0], $0xffff;
	[tilespmem:s29+$0x80] =	vst v5  }
0x2b7: {  	v58 =	vld [tilespmem:s0+$0x0]  }
0x2b8: {  	v7 =	vld.idx.msk [tilespmem:v53+s7+$0x0], $0xffff  }
0x2b9: {  	[tilespmem:s29+$0x170] =	vst v15;
	v57 =	vld.idx.msk [tilespmem:v55+s7+$0x0], $0xffff  }
0x2ba: {  	[tilespmem:s29+$0x90] =	vst v4;
	v3 =	vld.idx.msk [tilespmem:v52+s7+$0x0], $0xffff  }
0x2bb: {  	v59 =	vld [tilespmem:s0+$0x10];
	[tilespmem:s29+$0xA0] =	vst v2  }
0x2bc: {  	v2 =	vld [tilespmem:s0+$0x20];
	[tilespmem:s29+$0xD0] =	vst v0  }
0x2bd: {  	v0 =	vld [tilespmem:s0+$0x50];
	[tilespmem:s29+$0xC0] =	vst v7  }
0x2be: {  	v7 =	vld [tilespmem:s0+$0x40];
	[tilespmem:s29+$0xE0] =	vst v57  }
0x2bf: {  	[tilespmem:s29+$0xB0] =	vst v3;
	v60 =	vld [tilespmem:s0+$0x60]  }
0x2c0: {  	[tilespmem:s25+$0x100] =	vst v1;
	v3 =	vld [tilespmem:s0+$0x30]  }
0x2c1: {  	[tilespmem:s25+$0x110] =	vst v18;
	v61 =	vld.idx.msk [tilespmem:v43+s7+$0x0], $0xffff  }
0x2c2: {  	[tilespmem:s25+$0x120] =	vst v6;
	v4 =	vld.idx.msk [tilespmem:v58+s7+$0x0], $0xffff  }
0x2c3: {  	[tilespmem:s25+$0x130] =	vst v44;
	v62 =	vld.idx.msk [tilespmem:v59+s7+$0x0], $0xffff  }
0x2c4: {  	[tilespmem:s25+$0x140] =	vst v47;
	v2 =	vld.idx.msk [tilespmem:v2+s7+$0x0], $0xffff  }
0x2c5: {  	[tilespmem:s25+$0x150] =	vst v56;
	v0 =	vld.idx.msk [tilespmem:v0+s7+$0x0], $0xffff  }
0x2c6: {  	[tilespmem:s25+$0x160] =	vst v61;
	v63 =	vld.idx.msk [tilespmem:v7+s7+$0x0], $0xffff  }
0x2c7: {  	[tilespmem:s29+$0x100] =	vst v4;
	v1 =	vld.idx.msk [tilespmem:v60+s7+$0x0], $0xffff  }
0x2c8: {  	[tilespmem:s29+$0x110] =	vst v62;
	v3 =	vld.idx.msk [tilespmem:v3+s7+$0x0], $0xffff  }
0x2c9: {  	[tilespmem:s29+$0x120] =	vst v2  }
.Ltmp8:
0x2ca: {  	[tilespmem:s29+$0x150] =	vst v0;
	(pc) =	sbr.rel .LBB2_10-.Ltmp8, $4  }
0x2cb: {  	s31 =	smul.u32 $0x500, s24;
	[tilespmem:s29+$0x140] =	vst v63  }
0x2cc: {  	[tilespmem:s29+$0x160] =	vst v1  }
0x2cd: {  	s0 =	sadd.s32 s5, s31;
	[tilespmem:s29+$0x130] =	vst v3  }
0x2ce: {  	[hbm4b:s0+s16] =	stream.strided.scatter [tilespmem:s20], [sflag:$0x4], $0x1E00, s17, s16, $0x38;
	[tilespmem:$0x1FEA0] =	vst v63  }
.LBB2_12:
0x2cf: {  	_ =	sfence.sel $0x180000  }
0x2d0: {  	[bflag:$0x0] =	sbarrier.arrive $0xFFFF  }
0x2d1: {  	_ =	strace $0x90000047  }
0x2d2: {  	s0 =	stileid.u32;
	[bflag:$0x2] =	sbarrier.arrive $0xFFFF  }
0x2d3: {  	p0 =	sne.s32 s0, $0x0;
	s0 =	rddreg [dreg:$0x4]  }
0x2d4: {  	s0 =	sadd.s32 @!p0 $0x100000, s0  }
0x2d5: {  	[sflag:s0] =	ssyncadd.tile.s32 @!p0 $0x1;
	_ =	shalt  }
.Lfunc_end2:
_tile_overlayer_lowered:
.L_overlay_start_2:
0x2d6: {  	(tag) =	ssettag $0x2  }
0x2d7: {  	s0 =	rddreg [dreg:$0x0];
	s2 =	stileid.u32  }
0x2d8: {  	s1 =	rddreg [dreg:$0x1];
	p0 =	sne.s32 s2, $0x0  }
0x2d9: {  	s3 =	rddreg [dreg:$0x2];
	[bflag:$0x3] =	sbarrier.arrive $0xFFFF;
	s2 =	simm.s32 @!p0 $0x1C05  }
0x2da: {  	[timem:s3], [sflag:s2] =	dma.local @!p0 [hbm:s0], s1  }
0x2db: {  	s0 =	simm.s32 @!p0 $0x5  }
0x2dc: {  	_ =	swait.ge @!p0 [sflag:s0], s1  }
0x2dd: {  	s1 =	ssub.s32 @!p0 $0x0, s1;
	[sflag:s0] =	ssyncset.done @!p0 $0x0  }
0x2de: {  	[sflag:s0] =	ssyncadd.s32 @!p0 s1  }
0x2df: {  	[bflag:$0x3] =	sbarrier.arrive $0xFFFF  }
0x2e0: {  	_ =	shalt  }

</sc_bundles>
